<compile_context>
chip_gen: v7x
topology: tpu7x:2x2x1
jax: 0.10.2.dev20260603
libtpu: 0.0.44.dev20260713+nightly
codegen_flags: <defaults>
</compile_context>

<pallas_src>
import functools

import jax
import jax.numpy as jnp
from jax import lax
from jax.experimental import pallas as pl
from jax.experimental.pallas import tpu as pltpu
from jax.experimental.pallas import tpu_sc as plsc

N = 10000
E = 320000
D = 128

NC = 2
NS = 16
NW = NC * NS
CH = 128
R2D = 2560
EPAD = R2D * CH
RPC = R2D // NW
CHS = 80
ESW = E // NS
NCHS = ESW // CHS
NPAD = 10240
RPT = NPAD // NS
DPT = NPAD // NS

_sc_mesh = plsc.VectorSubcoreMesh(core_axis_name="c", subcore_axis_name="s")


@functools.partial(
    pl.kernel,
    out_type=[jax.ShapeDtypeStruct((NC * NPAD,), jnp.float32)] * 4,
    mesh=_sc_mesh,
    scratch_types=[
        pltpu.VMEM((RPC, CH), jnp.int32),
        pltpu.VMEM((RPC, CH), jnp.int32),
        pltpu.VMEM((RPC, CH), jnp.int32),
        pltpu.VMEM((RPC, CH), jnp.int32),
        pltpu.VMEM((CH,), jnp.float32),
        pltpu.VMEM_SHARED((NPAD,), jnp.float32),
        pltpu.VMEM_SHARED((NPAD,), jnp.float32),
        pltpu.VMEM_SHARED((NPAD,), jnp.float32),
        pltpu.VMEM_SHARED((NPAD,), jnp.float32),
        pltpu.SemaphoreType.DMA,
        pltpu.SemaphoreType.DMA,
        pltpu.SemaphoreType.DMA,
        pltpu.SemaphoreType.DMA,
    ],
)
def _sc_degrees(s1_hbm, d1_hbm, s2_hbm, d2_hbm, ones_hbm, zeros_hbm,
                o1_hbm, i1_hbm, o2_hbm, i2_hbm,
                s1_v, d1_v, s2_v, d2_v, ones_v,
                o1_sh, i1_sh, o2_sh, i2_sh,
                sem0, sem1, sem2, sem3):
    cid = lax.axis_index("c")
    sid = lax.axis_index("s")
    wid = cid * NS + sid
    idx_v = (s1_v, d1_v, s2_v, d2_v)
    idx_hbm = (s1_hbm, d1_hbm, s2_hbm, d2_hbm)
    sh = (o1_sh, i1_sh, o2_sh, i2_sh)
    out = (o1_hbm, i1_hbm, o2_hbm, i2_hbm)
    sems = (sem0, sem1, sem2, sem3)

    pltpu.sync_copy(ones_hbm, ones_v)
    for k in range(4):
        pltpu.sync_copy(idx_hbm[k].at[pl.ds(wid * RPC, RPC)], idx_v[k])
        pltpu.sync_copy(zeros_hbm, sh[k].at[pl.ds(sid * DPT, DPT)])
    plsc.subcore_barrier()

    for k in range(4):
        pltpu.async_copy(ones_v, sh[k].at[idx_v[k].at[0]], sems[k], add=True)

    def body(j, carry):
        for k in range(4):
            pltpu.make_async_copy(ones_v, sh[k].at[idx_v[k].at[j - 1]],
                                  sems[k]).wait()
            pltpu.async_copy(ones_v, sh[k].at[idx_v[k].at[j]], sems[k],
                             add=True)
        return carry

    lax.fori_loop(1, RPC, body, 0)
    for k in range(4):
        pltpu.make_async_copy(ones_v, sh[k].at[idx_v[k].at[RPC - 1]],
                              sems[k]).wait()
    plsc.subcore_barrier()
    for k in range(4):
        pltpu.sync_copy(sh[k].at[pl.ds(sid * DPT, DPT)],
                        out[k].at[pl.ds(cid * NPAD + sid * DPT, DPT)])


@functools.partial(
    pl.kernel,
    out_type=jax.ShapeDtypeStruct((NC, NPAD, D), jnp.float32),
    mesh=_sc_mesh,
    scratch_types=[
        pltpu.VMEM((ESW,), jnp.int32),
        pltpu.VMEM((CHS,), jnp.int32),
        pltpu.VMEM((CHS, D), jnp.float32),
        pltpu.VMEM_SHARED((NPAD, D), jnp.float32),
        pltpu.SemaphoreType.DMA,
    ],
)
def _sc_spmm(h_hbm, src_hbm, dst_hbm, zrows_hbm, out_hbm,
             sidx_v, didx_v, rows_v, acc_sh, sem):
    cid = lax.axis_index("c")
    sid = lax.axis_index("s")
    wid = cid * NS + sid
    base = wid * ESW

    pltpu.sync_copy(zrows_hbm, acc_sh.at[pl.ds(sid * RPT, RPT)])
    pltpu.sync_copy(src_hbm.at[pl.ds(base, ESW)], sidx_v)
    plsc.subcore_barrier()

    def body(i, carry):
        pltpu.sync_copy(dst_hbm.at[pl.ds(base + i * CHS, CHS)], didx_v)
        pltpu.async_copy(h_hbm.at[sidx_v.at[pl.ds(i * CHS, CHS)]], rows_v,
                         sem).wait()
        pltpu.sync_copy(rows_v, acc_sh.at[didx_v], add=True)
        return carry

    lax.fori_loop(0, NCHS, body, 0)
    plsc.subcore_barrier()
    pltpu.sync_copy(acc_sh.at[pl.ds(sid * RPT, RPT)],
                    out_hbm.at[cid, pl.ds(sid * RPT, RPT)])


_BN = 2000
_G = N // _BN


def _prep_body(feat_ref, do_ref, di_ref, h0_ref, ns_ref, nd_ref):
    dego = do_ref[0]
    degi = di_ref[0]
    ns = lax.rsqrt(jnp.where(dego > 0, dego, 1.0))
    nd = lax.rsqrt(jnp.where(degi > 0, degi, 1.0))
    ns_ref[0] = ns
    nd_ref[0] = nd
    h0_ref[0] = feat_ref[0] * ns


def _tc_prep(feat_cat, do_cat, di_cat):
    grid = (2 * _G,)
    row = pl.BlockSpec((1, _BN, D), lambda i: (i // _G, i % _G, 0))
    col = pl.BlockSpec((1, _BN, 1), lambda i: (i // _G, i % _G, 0))
    return pl.pallas_call(
        _prep_body,
        grid=grid,
        in_specs=[row, col, col],
        out_specs=[row, col, col],
        out_shape=[
            jax.ShapeDtypeStruct((2, NPAD, D), jnp.float32),
            jax.ShapeDtypeStruct((2, N, 1), jnp.float32),
            jax.ShapeDtypeStruct((2, N, 1), jnp.float32),
        ],
    )(feat_cat, do_cat, di_cat)


def _mm1_body(a_ref, nd_ref, so_ref, w_ref, b_ref, y_ref):
    x = a_ref[0] * nd_ref[0]
    y = jnp.dot(x, w_ref[...], preferred_element_type=jnp.float32)
    y = jnp.maximum(y + b_ref[...], 0.0)
    y_ref[0] = y * so_ref[0]


def _tc_mm1(agg_cat, nd_cat, ns_cat, w, b):
    grid = (2 * _G,)
    row = pl.BlockSpec((1, _BN, D), lambda i: (i // _G, i % _G, 0))
    col = pl.BlockSpec((1, _BN, 1), lambda i: (i // _G, i % _G, 0))
    full = pl.BlockSpec((D, D), lambda i: (0, 0))
    vec = pl.BlockSpec((1, D), lambda i: (0, 0))
    return pl.pallas_call(
        _mm1_body,
        grid=grid,
        in_specs=[row, col, col, full, vec],
        out_specs=row,
        out_shape=jax.ShapeDtypeStruct((2, NPAD, D), jnp.float32),
    )(agg_cat, nd_cat, ns_cat, w, b)


def _head_body(a_ref, nd_ref, w2_ref, b2_ref, wm1_ref, bm1_ref,
               wm2_ref, bm2_ref, c_ref, x_ref):
    x = a_ref[0] * nd_ref[0]
    c = jnp.dot(x, w2_ref[...], preferred_element_type=jnp.float32)
    c = jnp.maximum(c + b2_ref[...], 0.0)
    c_ref[...] = c
    t = jnp.dot(c, wm1_ref[...], preferred_element_type=jnp.float32)
    t = jnp.maximum(t + bm1_ref[...], 0.0)
    y = jnp.dot(t, wm2_ref[...], preferred_element_type=jnp.float32)
    x_ref[...] = jnp.maximum(y + bm2_ref[...], 0.0)


def _tc_head(g, agg_cat, nd_cat, w2, b2, wm1, bm1, wm2, bm2):
    grid = (_G,)
    part = pl.BlockSpec((1, _BN, D), lambda i, g=g: (g, i, 0))
    coln = pl.BlockSpec((1, _BN, 1), lambda i, g=g: (g, i, 0))
    row = pl.BlockSpec((_BN, D), lambda i: (i, 0))
    full = pl.BlockSpec((D, D), lambda i: (0, 0))
    vec = pl.BlockSpec((1, D), lambda i: (0, 0))
    return pl.pallas_call(
        _head_body,
        grid=grid,
        in_specs=[part, coln, full, vec, full, vec, full, vec],
        out_specs=[row, row],
        out_shape=[
            jax.ShapeDtypeStruct((N, D), jnp.float32),
            jax.ShapeDtypeStruct((N, D), jnp.float32),
        ],
    )(agg_cat, nd_cat, w2, b2, wm1, bm1, wm2, bm2)


def _pad_edges(idx, pad_value):
    pad = jnp.full((EPAD - E,), pad_value, jnp.int32)
    return jnp.concatenate([idx, pad]).reshape(R2D, CH)


def kernel(feat1, feat2, edge_index1, edge_index2, W1, b1, W2, b2,
           Wm1, bm1, Wm2, bm2):
    s1, d1 = edge_index1[0], edge_index1[1]
    s2, d2 = edge_index2[0], edge_index2[1]

    ones_c = jnp.ones((CH,), jnp.float32)
    zeros_deg = jnp.zeros((DPT,), jnp.float32)
    zrows = jnp.zeros((RPT, D), jnp.float32)

    dego1, degi1, dego2, degi2 = _sc_degrees(
        _pad_edges(s1, N), _pad_edges(d1, N),
        _pad_edges(s2, N), _pad_edges(d2, N),
        ones_c, zeros_deg)

    src_cat = jnp.concatenate([s1, s2 + NPAD])
    dst_cat = jnp.concatenate([d1, d2])

    feat_cat = jnp.stack([feat1, feat2])
    do_cat = jnp.stack([dego1[:N] + dego1[NPAD:NPAD + N],
                        dego2[:N] + dego2[NPAD:NPAD + N]]).reshape(2, N, 1)
    di_cat = jnp.stack([degi1[:N] + degi1[NPAD:NPAD + N],
                        degi2[:N] + degi2[NPAD:NPAD + N]]).reshape(2, N, 1)

    h0_cat, ns_cat, nd_cat = _tc_prep(feat_cat, do_cat, di_cat)

    agg1 = _sc_spmm(h0_cat.reshape(2 * NPAD, D), src_cat, dst_cat, zrows)
    h1_cat = _tc_mm1(agg1, nd_cat, ns_cat, W1, b1.reshape(1, D))
    agg2 = _sc_spmm(h1_cat.reshape(2 * NPAD, D), src_cat, dst_cat, zrows)

    c1, x21 = _tc_head(0, agg2, nd_cat, W2, b2.reshape(1, D),
                       Wm1, bm1.reshape(1, D), Wm2, bm2.reshape(1, D))
    c2, x22 = _tc_head(1, agg2, nd_cat, W2, b2.reshape(1, D),
                       Wm1, bm1.reshape(1, D), Wm2, bm2.reshape(1, D))
    return (c1, c2, x21, x22)

# --- scband reference (transcript-rebuilt; emitter-appended) ---
"""Pipeline reference for scband-emdaligner-31808527794777 (READ-ONLY COPY).

The authoritative reference and input builder live on the scoring server;
editing this copy changes nothing except your own understanding.
"""

import jax, jax.numpy as jnp
import numpy as np

N = 10000
E = 320000
D = 128


def gcn_conv(x, src, dst, W, b):
    # DGL GraphConv with norm='both': h = D_dst^{-1/2} A D_src^{-1/2} x W + b
    ones = jnp.ones((E,), dtype=jnp.float32)
    deg_out = jax.ops.segment_sum(ones, src, num_segments=N)
    deg_in = jax.ops.segment_sum(ones, dst, num_segments=N)
    norm_src = jnp.where(deg_out > 0, deg_out, 1.0) ** -0.5
    norm_dst = jnp.where(deg_in > 0, deg_in, 1.0) ** -0.5
    h = x * norm_src[:, None]
    msg = h[src]  # gather over edges
    agg = jax.ops.segment_sum(msg, dst, num_segments=N)  # scatter-add
    agg = agg * norm_dst[:, None]
    return agg @ W + b


def setup_inputs(seed: int = 0):
    key = jax.random.key(seed)
    ks = jax.random.split(key, 12)
    feat1 = jax.random.normal(ks[0], (N, D), dtype=jnp.float32)
    feat2 = jax.random.normal(ks[1], (N, D), dtype=jnp.float32)
    edge_index1 = jax.random.randint(ks[2], (2, E), 0, N, dtype=jnp.int32)
    edge_index2 = jax.random.randint(ks[3], (2, E), 0, N, dtype=jnp.int32)
    s = 1.0 / np.sqrt(D)
    W1 = jax.random.uniform(ks[4], (D, D), jnp.float32, -s, s)
    b1 = jnp.zeros((D,), jnp.float32)
    W2 = jax.random.uniform(ks[5], (D, D), jnp.float32, -s, s)
    b2 = jnp.zeros((D,), jnp.float32)
    Wm1 = jax.random.uniform(ks[6], (D, D), jnp.float32, -s, s)
    bm1 = jax.random.uniform(ks[7], (D,), jnp.float32, -s, s)
    Wm2 = jax.random.uniform(ks[8], (D, D), jnp.float32, -s, s)
    bm2 = jax.random.uniform(ks[9], (D,), jnp.float32, -s, s)
    return {"feat1": feat1, "feat2": feat2, "edge_index1": edge_index1,
            "edge_index2": edge_index2, "W1": W1, "b1": b1, "W2": W2, "b2": b2,
            "Wm1": Wm1, "bm1": bm1, "Wm2": Wm2, "bm2": bm2}


def reference(feat1, feat2, edge_index1, edge_index2, W1, b1, W2, b2, Wm1, bm1, Wm2, bm2):
    relu = jax.nn.relu
    s1, d1 = edge_index1[0], edge_index1[1]
    s2, d2 = edge_index2[0], edge_index2[1]
    # shared 2-layer GCN encoder
    h11 = relu(gcn_conv(feat1, s1, d1, W1, b1))
    c1 = relu(gcn_conv(h11, s1, d1, W2, b2))
    h21 = relu(gcn_conv(feat2, s2, d2, W1, b1))
    c2 = relu(gcn_conv(h21, s2, d2, W2, b2))
    # shared MLP head
    x11 = relu(c1 @ Wm1 + bm1)
    x12 = relu(c2 @ Wm1 + bm1)
    x21 = relu(x11 @ Wm2 + bm2)
    x22 = relu(x12 @ Wm2 + bm2)
    return (c1, c2, x21, x22)

if __name__ == "__main__":
    import jax
    _d = setup_inputs()
    print(jax.jit(kernel)(*tuple(_d.values())))

</pallas_src>

<mosaic_0001>
#map = affine_map<(d0, d1) -> (0, 0)>
#map1 = affine_map<(d0, d1) -> (0)>
module attributes {stable_mosaic.version = 14 : i64} {
  func.func @_sc_degrees(%arg0: i32, %arg1: i32, %arg2: memref<2560x128xi32, #tpu.memory_space<hbm>>, %arg3: memref<2560x128xi32, #tpu.memory_space<hbm>>, %arg4: memref<2560x128xi32, #tpu.memory_space<hbm>>, %arg5: memref<2560x128xi32, #tpu.memory_space<hbm>>, %arg6: memref<128xf32, #tpu.memory_space<hbm>>, %arg7: memref<640xf32, #tpu.memory_space<hbm>>, %arg8: memref<20480xf32, #tpu.memory_space<hbm>>, %arg9: memref<20480xf32, #tpu.memory_space<hbm>>, %arg10: memref<20480xf32, #tpu.memory_space<hbm>>, %arg11: memref<20480xf32, #tpu.memory_space<hbm>>, %arg12: memref<80x128xi32, #tpu.memory_space<vmem>>, %arg13: memref<80x128xi32, #tpu.memory_space<vmem>>, %arg14: memref<80x128xi32, #tpu.memory_space<vmem>>, %arg15: memref<80x128xi32, #tpu.memory_space<vmem>>, %arg16: memref<128xf32, #tpu.memory_space<vmem>>, %arg17: memref<10240xf32, #tpu.memory_space<vmem_shared>>, %arg18: memref<10240xf32, #tpu.memory_space<vmem_shared>>, %arg19: memref<10240xf32, #tpu.memory_space<vmem_shared>>, %arg20: memref<10240xf32, #tpu.memory_space<vmem_shared>>, %arg21: memref<!tpu.dma_semaphore, #tpu.memory_space<semaphore_mem>>, %arg22: memref<!tpu.dma_semaphore, #tpu.memory_space<semaphore_mem>>, %arg23: memref<!tpu.dma_semaphore, #tpu.memory_space<semaphore_mem>>, %arg24: memref<!tpu.dma_semaphore, #tpu.memory_space<semaphore_mem>>) attributes {dimension_semantics = [#tpu.dimension_semantics<core_parallel>, #tpu.dimension_semantics<subcore_parallel>], iteration_bounds = array<i64: 2, 16>, scalar_prefetch = 0 : i64, scratch_operands = 13 : i64, tpu.core_type = #tpu.core_type<sc_vector_subcore>, window_params = [{transform_indices = #map}, {transform_indices = #map}, {transform_indices = #map}, {transform_indices = #map}, {transform_indices = #map1}, {transform_indices = #map1}, {transform_indices = #map1}, {transform_indices = #map1}, {transform_indices = #map1}, {transform_indices = #map1}]} {
    %mul3A = arith.constant 16 : i32
    %mul3A_0 = arith.muli %arg0, %mul3A : i32
    %add3A = arith.addi %mul3A_0, %arg1 : i32
    "tpu.region"() ({
      %run_scoped3A = tpu.sem_alloc : memref<!tpu.dma_semaphore, #tpu.memory_space<semaphore_mem>>
      tpu.enqueue_dma source(%arg6 : memref<128xf32, #tpu.memory_space<hbm>>) target(%arg16 : memref<128xf32, #tpu.memory_space<vmem>>) target_semaphore(%run_scoped3A : memref<!tpu.dma_semaphore, #tpu.memory_space<semaphore_mem>>)
      tpu.wait_dma2 semaphore(%run_scoped3A : memref<!tpu.dma_semaphore, #tpu.memory_space<semaphore_mem>>) src(%arg6 : memref<128xf32, #tpu.memory_space<hbm>>) dst(%arg16 : memref<128xf32, #tpu.memory_space<vmem>>)
      tpu.yield
    }) : () -> ()
    %mul3A_1 = arith.constant 80 : i32
    %mul3A_2 = arith.muli %add3A, %mul3A_1 : i32
    "tpu.region"() ({
      %run_scoped3A = tpu.sem_alloc : memref<!tpu.dma_semaphore, #tpu.memory_space<semaphore_mem>>
      %dma_start3A_97 = arith.constant 0 : i32
      %dma_start3A_98 = tpu.memref_slice %arg2[%mul3A_2, %dma_start3A_97] : memref<2560x128xi32, #tpu.memory_space<hbm>> -> memref<80x128xi32, #tpu.memory_space<hbm>>
      %dma_start3A_99 = arith.constant 0 : i32
      %dma_start3A_100 = tpu.memref_slice %arg2[%mul3A_2, %dma_start3A_99] : memref<2560x128xi32, #tpu.memory_space<hbm>> -> memref<80x128xi32, #tpu.memory_space<hbm>>
      tpu.enqueue_dma source(%dma_start3A_100 : memref<80x128xi32, #tpu.memory_space<hbm>>) target(%arg12 : memref<80x128xi32, #tpu.memory_space<vmem>>) target_semaphore(%run_scoped3A : memref<!tpu.dma_semaphore, #tpu.memory_space<semaphore_mem>>)
      %dma_wait3A_101 = arith.constant 0 : i32
      %dma_wait3A_102 = tpu.memref_slice %arg2[%mul3A_2, %dma_wait3A_101] : memref<2560x128xi32, #tpu.memory_space<hbm>> -> memref<80x128xi32, #tpu.memory_space<hbm>>
      %dma_wait3A_103 = arith.constant 0 : i32
      %dma_wait3A_104 = tpu.memref_slice %arg2[%mul3A_2, %dma_wait3A_103] : memref<2560x128xi32, #tpu.memory_space<hbm>> -> memref<80x128xi32, #tpu.memory_space<hbm>>
      tpu.wait_dma2 semaphore(%run_scoped3A : memref<!tpu.dma_semaphore, #tpu.memory_space<semaphore_mem>>) src(%dma_wait3A_104 : memref<80x128xi32, #tpu.memory_space<hbm>>) dst(%arg12 : memref<80x128xi32, #tpu.memory_space<vmem>>)
      tpu.yield
    }) : () -> ()
    %mul3A_3 = arith.constant 640 : i32
    %mul3A_4 = arith.muli %arg1, %mul3A_3 : i32
    "tpu.region"() ({
      %run_scoped3A = tpu.sem_alloc : memref<!tpu.dma_semaphore, #tpu.memory_space<semaphore_mem>>
      %dma_start3A_97 = tpu.memref_slice %arg17[%mul3A_4] : memref<10240xf32, #tpu.memory_space<vmem_shared>> -> memref<640xf32, #tpu.memory_space<vmem_shared>>
      tpu.enqueue_dma source(%arg7 : memref<640xf32, #tpu.memory_space<hbm>>) target(%dma_start3A_97 : memref<640xf32, #tpu.memory_space<vmem_shared>>) target_semaphore(%run_scoped3A : memref<!tpu.dma_semaphore, #tpu.memory_space<semaphore_mem>>)
      %dma_wait3A_98 = tpu.memref_slice %arg17[%mul3A_4] : memref<10240xf32, #tpu.memory_space<vmem_shared>> -> memref<640xf32, #tpu.memory_space<vmem_shared>>
      tpu.wait_dma2 semaphore(%run_scoped3A : memref<!tpu.dma_semaphore, #tpu.memory_space<semaphore_mem>>) src(%arg7 : memref<640xf32, #tpu.memory_space<hbm>>) dst(%dma_wait3A_98 : memref<640xf32, #tpu.memory_space<vmem_shared>>)
      tpu.yield
    }) : () -> ()
    %mul3A_5 = arith.constant 80 : i32
    %mul3A_6 = arith.muli %add3A, %mul3A_5 : i32
    "tpu.region"() ({
      %run_scoped3A = tpu.sem_alloc : memref<!tpu.dma_semaphore, #tpu.memory_space<semaphore_mem>>
      %dma_start3A_97 = arith.constant 0 : i32
      %dma_start3A_98 = tpu.memref_slice %arg3[%mul3A_6, %dma_start3A_97] : memref<2560x128xi32, #tpu.memory_space<hbm>> -> memref<80x128xi32, #tpu.memory_space<hbm>>
      %dma_start3A_99 = arith.constant 0 : i32
      %dma_start3A_100 = tpu.memref_slice %arg3[%mul3A_6, %dma_start3A_99] : memref<2560x128xi32, #tpu.memory_space<hbm>> -> memref<80x128xi32, #tpu.memory_space<hbm>>
      tpu.enqueue_dma source(%dma_start3A_100 : memref<80x128xi32, #tpu.memory_space<hbm>>) target(%arg13 : memref<80x128xi32, #tpu.memory_space<vmem>>) target_semaphore(%run_scoped3A : memref<!tpu.dma_semaphore, #tpu.memory_space<semaphore_mem>>)
      %dma_wait3A_101 = arith.constant 0 : i32
      %dma_wait3A_102 = tpu.memref_slice %arg3[%mul3A_6, %dma_wait3A_101] : memref<2560x128xi32, #tpu.memory_space<hbm>> -> memref<80x128xi32, #tpu.memory_space<hbm>>
      %dma_wait3A_103 = arith.constant 0 : i32
      %dma_wait3A_104 = tpu.memref_slice %arg3[%mul3A_6, %dma_wait3A_103] : memref<2560x128xi32, #tpu.memory_space<hbm>> -> memref<80x128xi32, #tpu.memory_space<hbm>>
      tpu.wait_dma2 semaphore(%run_scoped3A : memref<!tpu.dma_semaphore, #tpu.memory_space<semaphore_mem>>) src(%dma_wait3A_104 : memref<80x128xi32, #tpu.memory_space<hbm>>) dst(%arg13 : memref<80x128xi32, #tpu.memory_space<vmem>>)
      tpu.yield
    }) : () -> ()
    %mul3A_7 = arith.constant 640 : i32
    %mul3A_8 = arith.muli %arg1, %mul3A_7 : i32
    "tpu.region"() ({
      %run_scoped3A = tpu.sem_alloc : memref<!tpu.dma_semaphore, #tpu.memory_space<semaphore_mem>>
      %dma_start3A_97 = tpu.memref_slice %arg18[%mul3A_8] : memref<10240xf32, #tpu.memory_space<vmem_shared>> -> memref<640xf32, #tpu.memory_space<vmem_shared>>
      tpu.enqueue_dma source(%arg7 : memref<640xf32, #tpu.memory_space<hbm>>) target(%dma_start3A_97 : memref<640xf32, #tpu.memory_space<vmem_shared>>) target_semaphore(%run_scoped3A : memref<!tpu.dma_semaphore, #tpu.memory_space<semaphore_mem>>)
      %dma_wait3A_98 = tpu.memref_slice %arg18[%mul3A_8] : memref<10240xf32, #tpu.memory_space<vmem_shared>> -> memref<640xf32, #tpu.memory_space<vmem_shared>>
      tpu.wait_dma2 semaphore(%run_scoped3A : memref<!tpu.dma_semaphore, #tpu.memory_space<semaphore_mem>>) src(%arg7 : memref<640xf32, #tpu.memory_space<hbm>>) dst(%dma_wait3A_98 : memref<640xf32, #tpu.memory_space<vmem_shared>>)
      tpu.yield
    }) : () -> ()
    %mul3A_9 = arith.constant 80 : i32
    %mul3A_10 = arith.muli %add3A, %mul3A_9 : i32
    "tpu.region"() ({
      %run_scoped3A = tpu.sem_alloc : memref<!tpu.dma_semaphore, #tpu.memory_space<semaphore_mem>>
      %dma_start3A_97 = arith.constant 0 : i32
      %dma_start3A_98 = tpu.memref_slice %arg4[%mul3A_10, %dma_start3A_97] : memref<2560x128xi32, #tpu.memory_space<hbm>> -> memref<80x128xi32, #tpu.memory_space<hbm>>
      %dma_start3A_99 = arith.constant 0 : i32
      %dma_start3A_100 = tpu.memref_slice %arg4[%mul3A_10, %dma_start3A_99] : memref<2560x128xi32, #tpu.memory_space<hbm>> -> memref<80x128xi32, #tpu.memory_space<hbm>>
      tpu.enqueue_dma source(%dma_start3A_100 : memref<80x128xi32, #tpu.memory_space<hbm>>) target(%arg14 : memref<80x128xi32, #tpu.memory_space<vmem>>) target_semaphore(%run_scoped3A : memref<!tpu.dma_semaphore, #tpu.memory_space<semaphore_mem>>)
      %dma_wait3A_101 = arith.constant 0 : i32
      %dma_wait3A_102 = tpu.memref_slice %arg4[%mul3A_10, %dma_wait3A_101] : memref<2560x128xi32, #tpu.memory_space<hbm>> -> memref<80x128xi32, #tpu.memory_space<hbm>>
      %dma_wait3A_103 = arith.constant 0 : i32
      %dma_wait3A_104 = tpu.memref_slice %arg4[%mul3A_10, %dma_wait3A_103] : memref<2560x128xi32, #tpu.memory_space<hbm>> -> memref<80x128xi32, #tpu.memory_space<hbm>>
      tpu.wait_dma2 semaphore(%run_scoped3A : memref<!tpu.dma_semaphore, #tpu.memory_space<semaphore_mem>>) src(%dma_wait3A_104 : memref<80x128xi32, #tpu.memory_space<hbm>>) dst(%arg14 : memref<80x128xi32, #tpu.memory_space<vmem>>)
      tpu.yield
    }) : () -> ()
    %mul3A_11 = arith.constant 640 : i32
    %mul3A_12 = arith.muli %arg1, %mul3A_11 : i32
    "tpu.region"() ({
      %run_scoped3A = tpu.sem_alloc : memref<!tpu.dma_semaphore, #tpu.memory_space<semaphore_mem>>
      %dma_start3A_97 = tpu.memref_slice %arg19[%mul3A_12] : memref<10240xf32, #tpu.memory_space<vmem_shared>> -> memref<640xf32, #tpu.memory_space<vmem_shared>>
      tpu.enqueue_dma source(%arg7 : memref<640xf32, #tpu.memory_space<hbm>>) target(%dma_start3A_97 : memref<640xf32, #tpu.memory_space<vmem_shared>>) target_semaphore(%run_scoped3A : memref<!tpu.dma_semaphore, #tpu.memory_space<semaphore_mem>>)
      %dma_wait3A_98 = tpu.memref_slice %arg19[%mul3A_12] : memref<10240xf32, #tpu.memory_space<vmem_shared>> -> memref<640xf32, #tpu.memory_space<vmem_shared>>
      tpu.wait_dma2 semaphore(%run_scoped3A : memref<!tpu.dma_semaphore, #tpu.memory_space<semaphore_mem>>) src(%arg7 : memref<640xf32, #tpu.memory_space<hbm>>) dst(%dma_wait3A_98 : memref<640xf32, #tpu.memory_space<vmem_shared>>)
      tpu.yield
    }) : () -> ()
    %mul3A_13 = arith.constant 80 : i32
    %mul3A_14 = arith.muli %add3A, %mul3A_13 : i32
    "tpu.region"() ({
      %run_scoped3A = tpu.sem_alloc : memref<!tpu.dma_semaphore, #tpu.memory_space<semaphore_mem>>
      %dma_start3A_97 = arith.constant 0 : i32
      %dma_start3A_98 = tpu.memref_slice %arg5[%mul3A_14, %dma_start3A_97] : memref<2560x128xi32, #tpu.memory_space<hbm>> -> memref<80x128xi32, #tpu.memory_space<hbm>>
      %dma_start3A_99 = arith.constant 0 : i32
      %dma_start3A_100 = tpu.memref_slice %arg5[%mul3A_14, %dma_start3A_99] : memref<2560x128xi32, #tpu.memory_space<hbm>> -> memref<80x128xi32, #tpu.memory_space<hbm>>
      tpu.enqueue_dma source(%dma_start3A_100 : memref<80x128xi32, #tpu.memory_space<hbm>>) target(%arg15 : memref<80x128xi32, #tpu.memory_space<vmem>>) target_semaphore(%run_scoped3A : memref<!tpu.dma_semaphore, #tpu.memory_space<semaphore_mem>>)
      %dma_wait3A_101 = arith.constant 0 : i32
      %dma_wait3A_102 = tpu.memref_slice %arg5[%mul3A_14, %dma_wait3A_101] : memref<2560x128xi32, #tpu.memory_space<hbm>> -> memref<80x128xi32, #tpu.memory_space<hbm>>
      %dma_wait3A_103 = arith.constant 0 : i32
      %dma_wait3A_104 = tpu.memref_slice %arg5[%mul3A_14, %dma_wait3A_103] : memref<2560x128xi32, #tpu.memory_space<hbm>> -> memref<80x128xi32, #tpu.memory_space<hbm>>
      tpu.wait_dma2 semaphore(%run_scoped3A : memref<!tpu.dma_semaphore, #tpu.memory_space<semaphore_mem>>) src(%dma_wait3A_104 : memref<80x128xi32, #tpu.memory_space<hbm>>) dst(%arg15 : memref<80x128xi32, #tpu.memory_space<vmem>>)
      tpu.yield
    }) : () -> ()
    %mul3A_15 = arith.constant 640 : i32
    %mul3A_16 = arith.muli %arg1, %mul3A_15 : i32
    "tpu.region"() ({
      %run_scoped3A = tpu.sem_alloc : memref<!tpu.dma_semaphore, #tpu.memory_space<semaphore_mem>>
      %dma_start3A_97 = tpu.memref_slice %arg20[%mul3A_16] : memref<10240xf32, #tpu.memory_space<vmem_shared>> -> memref<640xf32, #tpu.memory_space<vmem_shared>>
      tpu.enqueue_dma source(%arg7 : memref<640xf32, #tpu.memory_space<hbm>>) target(%dma_start3A_97 : memref<640xf32, #tpu.memory_space<vmem_shared>>) target_semaphore(%run_scoped3A : memref<!tpu.dma_semaphore, #tpu.memory_space<semaphore_mem>>)
      %dma_wait3A_98 = tpu.memref_slice %arg20[%mul3A_16] : memref<10240xf32, #tpu.memory_space<vmem_shared>> -> memref<640xf32, #tpu.memory_space<vmem_shared>>
      tpu.wait_dma2 semaphore(%run_scoped3A : memref<!tpu.dma_semaphore, #tpu.memory_space<semaphore_mem>>) src(%arg7 : memref<640xf32, #tpu.memory_space<hbm>>) dst(%dma_wait3A_98 : memref<640xf32, #tpu.memory_space<vmem_shared>>)
      tpu.yield
    }) : () -> ()
    %barrier3A = arith.constant 0 : index
    tpu.barrier barrier_id(%barrier3A)
    %dma_start3A = arith.constant 0 : i32
    %dma_start3A_17 = arith.constant 0 : i32
    %dma_start3A_18 = tpu.memref_slice %arg12[%dma_start3A, %dma_start3A_17] : memref<80x128xi32, #tpu.memory_space<vmem>> -> memref<1x128xi32, #tpu.memory_space<vmem>>
    %dma_start3A_19 = tpu.memref_squeeze %dma_start3A_18 : memref<1x128xi32, #tpu.memory_space<vmem>> -> memref<128xi32, #tpu.memory_space<vmem>>
    %dma_start3A_20 = arith.constant 0 : i32
    %dma_start3A_21 = tpu.memref_slice %arg17[%dma_start3A_20] : memref<10240xf32, #tpu.memory_space<vmem_shared>> -> memref<10240xf32, #tpu.memory_space<vmem_shared>>
    tpu.enqueue_indirect_dma source(%arg16 : memref<128xf32, #tpu.memory_space<vmem>>) target(%dma_start3A_21 : memref<10240xf32, #tpu.memory_space<vmem_shared>>) offsets(%dma_start3A_19 : memref<128xi32, #tpu.memory_space<vmem>>) semaphore(%arg21 : memref<!tpu.dma_semaphore, #tpu.memory_space<semaphore_mem>>) {add = true}
    %dma_start3A_22 = arith.constant 0 : i32
    %dma_start3A_23 = arith.constant 0 : i32
    %dma_start3A_24 = tpu.memref_slice %arg13[%dma_start3A_22, %dma_start3A_23] : memref<80x128xi32, #tpu.memory_space<vmem>> -> memref<1x128xi32, #tpu.memory_space<vmem>>
    %dma_start3A_25 = tpu.memref_squeeze %dma_start3A_24 : memref<1x128xi32, #tpu.memory_space<vmem>> -> memref<128xi32, #tpu.memory_space<vmem>>
    %dma_start3A_26 = arith.constant 0 : i32
    %dma_start3A_27 = tpu.memref_slice %arg18[%dma_start3A_26] : memref<10240xf32, #tpu.memory_space<vmem_shared>> -> memref<10240xf32, #tpu.memory_space<vmem_shared>>
    tpu.enqueue_indirect_dma source(%arg16 : memref<128xf32, #tpu.memory_space<vmem>>) target(%dma_start3A_27 : memref<10240xf32, #tpu.memory_space<vmem_shared>>) offsets(%dma_start3A_25 : memref<128xi32, #tpu.memory_space<vmem>>) semaphore(%arg22 : memref<!tpu.dma_semaphore, #tpu.memory_space<semaphore_mem>>) {add = true}
    %dma_start3A_28 = arith.constant 0 : i32
    %dma_start3A_29 = arith.constant 0 : i32
    %dma_start3A_30 = tpu.memref_slice %arg14[%dma_start3A_28, %dma_start3A_29] : memref<80x128xi32, #tpu.memory_space<vmem>> -> memref<1x128xi32, #tpu.memory_space<vmem>>
    %dma_start3A_31 = tpu.memref_squeeze %dma_start3A_30 : memref<1x128xi32, #tpu.memory_space<vmem>> -> memref<128xi32, #tpu.memory_space<vmem>>
    %dma_start3A_32 = arith.constant 0 : i32
    %dma_start3A_33 = tpu.memref_slice %arg19[%dma_start3A_32] : memref<10240xf32, #tpu.memory_space<vmem_shared>> -> memref<10240xf32, #tpu.memory_space<vmem_shared>>
    tpu.enqueue_indirect_dma source(%arg16 : memref<128xf32, #tpu.memory_space<vmem>>) target(%dma_start3A_33 : memref<10240xf32, #tpu.memory_space<vmem_shared>>) offsets(%dma_start3A_31 : memref<128xi32, #tpu.memory_space<vmem>>) semaphore(%arg23 : memref<!tpu.dma_semaphore, #tpu.memory_space<semaphore_mem>>) {add = true}
    %dma_start3A_34 = arith.constant 0 : i32
    %dma_start3A_35 = arith.constant 0 : i32
    %dma_start3A_36 = tpu.memref_slice %arg15[%dma_start3A_34, %dma_start3A_35] : memref<80x128xi32, #tpu.memory_space<vmem>> -> memref<1x128xi32, #tpu.memory_space<vmem>>
    %dma_start3A_37 = tpu.memref_squeeze %dma_start3A_36 : memref<1x128xi32, #tpu.memory_space<vmem>> -> memref<128xi32, #tpu.memory_space<vmem>>
    %dma_start3A_38 = arith.constant 0 : i32
    %dma_start3A_39 = tpu.memref_slice %arg20[%dma_start3A_38] : memref<10240xf32, #tpu.memory_space<vmem_shared>> -> memref<10240xf32, #tpu.memory_space<vmem_shared>>
    tpu.enqueue_indirect_dma source(%arg16 : memref<128xf32, #tpu.memory_space<vmem>>) target(%dma_start3A_39 : memref<10240xf32, #tpu.memory_space<vmem_shared>>) offsets(%dma_start3A_37 : memref<128xi32, #tpu.memory_space<vmem>>) semaphore(%arg24 : memref<!tpu.dma_semaphore, #tpu.memory_space<semaphore_mem>>) {add = true}
    %scan3A = arith.constant 0 : i32
    %scan3A_40 = arith.constant 1 : i32
    %scan3A_41 = arith.constant 79 : i32
    %scan3A_42 = arith.addi %scan3A_40, %scan3A_41 : i32
    %scan3A_43 = arith.constant 1 : i32
    scf.for %scan3A_97 = %scan3A_40 to %scan3A_42 step %scan3A_43  : i32 {
      %sub3A = arith.constant 1 : i32
      %sub3A_98 = arith.subi %scan3A_97, %sub3A : i32
      %dma_wait3A_99 = arith.constant 0 : i32
      %dma_wait3A_100 = tpu.memref_slice %arg12[%sub3A_98, %dma_wait3A_99] : memref<80x128xi32, #tpu.memory_space<vmem>> -> memref<1x128xi32, #tpu.memory_space<vmem>>
      %dma_wait3A_101 = tpu.memref_squeeze %dma_wait3A_100 : memref<1x128xi32, #tpu.memory_space<vmem>> -> memref<128xi32, #tpu.memory_space<vmem>>
      %dma_wait3A_102 = arith.constant 0 : i32
      %dma_wait3A_103 = tpu.memref_slice %arg17[%dma_wait3A_102] : memref<10240xf32, #tpu.memory_space<vmem_shared>> -> memref<10240xf32, #tpu.memory_space<vmem_shared>>
      tpu.wait_indirect_dma semaphore(%arg21 : memref<!tpu.dma_semaphore, #tpu.memory_space<semaphore_mem>>) src(%arg16 : memref<128xf32, #tpu.memory_space<vmem>>) dst(%dma_wait3A_103 : memref<10240xf32, #tpu.memory_space<vmem_shared>>)
      %dma_start3A_104 = arith.constant 0 : i32
      %dma_start3A_105 = tpu.memref_slice %arg12[%scan3A_97, %dma_start3A_104] : memref<80x128xi32, #tpu.memory_space<vmem>> -> memref<1x128xi32, #tpu.memory_space<vmem>>
      %dma_start3A_106 = tpu.memref_squeeze %dma_start3A_105 : memref<1x128xi32, #tpu.memory_space<vmem>> -> memref<128xi32, #tpu.memory_space<vmem>>
      %dma_start3A_107 = arith.constant 0 : i32
      %dma_start3A_108 = tpu.memref_slice %arg17[%dma_start3A_107] : memref<10240xf32, #tpu.memory_space<vmem_shared>> -> memref<10240xf32, #tpu.memory_space<vmem_shared>>
      tpu.enqueue_indirect_dma source(%arg16 : memref<128xf32, #tpu.memory_space<vmem>>) target(%dma_start3A_108 : memref<10240xf32, #tpu.memory_space<vmem_shared>>) offsets(%dma_start3A_106 : memref<128xi32, #tpu.memory_space<vmem>>) semaphore(%arg21 : memref<!tpu.dma_semaphore, #tpu.memory_space<semaphore_mem>>) {add = true}
      %sub3A_109 = arith.constant 1 : i32
      %sub3A_110 = arith.subi %scan3A_97, %sub3A_109 : i32
      %dma_wait3A_111 = arith.constant 0 : i32
      %dma_wait3A_112 = tpu.memref_slice %arg13[%sub3A_110, %dma_wait3A_111] : memref<80x128xi32, #tpu.memory_space<vmem>> -> memref<1x128xi32, #tpu.memory_space<vmem>>
      %dma_wait3A_113 = tpu.memref_squeeze %dma_wait3A_112 : memref<1x128xi32, #tpu.memory_space<vmem>> -> memref<128xi32, #tpu.memory_space<vmem>>
      %dma_wait3A_114 = arith.constant 0 : i32
      %dma_wait3A_115 = tpu.memref_slice %arg18[%dma_wait3A_114] : memref<10240xf32, #tpu.memory_space<vmem_shared>> -> memref<10240xf32, #tpu.memory_space<vmem_shared>>
      tpu.wait_indirect_dma semaphore(%arg22 : memref<!tpu.dma_semaphore, #tpu.memory_space<semaphore_mem>>) src(%arg16 : memref<128xf32, #tpu.memory_space<vmem>>) dst(%dma_wait3A_115 : memref<10240xf32, #tpu.memory_space<vmem_shared>>)
      %dma_start3A_116 = arith.constant 0 : i32
      %dma_start3A_117 = tpu.memref_slice %arg13[%scan3A_97, %dma_start3A_116] : memref<80x128xi32, #tpu.memory_space<vmem>> -> memref<1x128xi32, #tpu.memory_space<vmem>>
      %dma_start3A_118 = tpu.memref_squeeze %dma_start3A_117 : memref<1x128xi32, #tpu.memory_space<vmem>> -> memref<128xi32, #tpu.memory_space<vmem>>
      %dma_start3A_119 = arith.constant 0 : i32
      %dma_start3A_120 = tpu.memref_slice %arg18[%dma_start3A_119] : memref<10240xf32, #tpu.memory_space<vmem_shared>> -> memref<10240xf32, #tpu.memory_space<vmem_shared>>
      tpu.enqueue_indirect_dma source(%arg16 : memref<128xf32, #tpu.memory_space<vmem>>) target(%dma_start3A_120 : memref<10240xf32, #tpu.memory_space<vmem_shared>>) offsets(%dma_start3A_118 : memref<128xi32, #tpu.memory_space<vmem>>) semaphore(%arg22 : memref<!tpu.dma_semaphore, #tpu.memory_space<semaphore_mem>>) {add = true}
      %sub3A_121 = arith.constant 1 : i32
      %sub3A_122 = arith.subi %scan3A_97, %sub3A_121 : i32
      %dma_wait3A_123 = arith.constant 0 : i32
      %dma_wait3A_124 = tpu.memref_slice %arg14[%sub3A_122, %dma_wait3A_123] : memref<80x128xi32, #tpu.memory_space<vmem>> -> memref<1x128xi32, #tpu.memory_space<vmem>>
      %dma_wait3A_125 = tpu.memref_squeeze %dma_wait3A_124 : memref<1x128xi32, #tpu.memory_space<vmem>> -> memref<128xi32, #tpu.memory_space<vmem>>
      %dma_wait3A_126 = arith.constant 0 : i32
      %dma_wait3A_127 = tpu.memref_slice %arg19[%dma_wait3A_126] : memref<10240xf32, #tpu.memory_space<vmem_shared>> -> memref<10240xf32, #tpu.memory_space<vmem_shared>>
      tpu.wait_indirect_dma semaphore(%arg23 : memref<!tpu.dma_semaphore, #tpu.memory_space<semaphore_mem>>) src(%arg16 : memref<128xf32, #tpu.memory_space<vmem>>) dst(%dma_wait3A_127 : memref<10240xf32, #tpu.memory_space<vmem_shared>>)
      %dma_start3A_128 = arith.constant 0 : i32
      %dma_start3A_129 = tpu.memref_slice %arg14[%scan3A_97, %dma_start3A_128] : memref<80x128xi32, #tpu.memory_space<vmem>> -> memref<1x128xi32, #tpu.memory_space<vmem>>
      %dma_start3A_130 = tpu.memref_squeeze %dma_start3A_129 : memref<1x128xi32, #tpu.memory_space<vmem>> -> memref<128xi32, #tpu.memory_space<vmem>>
      %dma_start3A_131 = arith.constant 0 : i32
      %dma_start3A_132 = tpu.memref_slice %arg19[%dma_start3A_131] : memref<10240xf32, #tpu.memory_space<vmem_shared>> -> memref<10240xf32, #tpu.memory_space<vmem_shared>>
      tpu.enqueue_indirect_dma source(%arg16 : memref<128xf32, #tpu.memory_space<vmem>>) target(%dma_start3A_132 : memref<10240xf32, #tpu.memory_space<vmem_shared>>) offsets(%dma_start3A_130 : memref<128xi32, #tpu.memory_space<vmem>>) semaphore(%arg23 : memref<!tpu.dma_semaphore, #tpu.memory_space<semaphore_mem>>) {add = true}
      %sub3A_133 = arith.constant 1 : i32
      %sub3A_134 = arith.subi %scan3A_97, %sub3A_133 : i32
      %dma_wait3A_135 = arith.constant 0 : i32
      %dma_wait3A_136 = tpu.memref_slice %arg15[%sub3A_134, %dma_wait3A_135] : memref<80x128xi32, #tpu.memory_space<vmem>> -> memref<1x128xi32, #tpu.memory_space<vmem>>
      %dma_wait3A_137 = tpu.memref_squeeze %dma_wait3A_136 : memref<1x128xi32, #tpu.memory_space<vmem>> -> memref<128xi32, #tpu.memory_space<vmem>>
      %dma_wait3A_138 = arith.constant 0 : i32
      %dma_wait3A_139 = tpu.memref_slice %arg20[%dma_wait3A_138] : memref<10240xf32, #tpu.memory_space<vmem_shared>> -> memref<10240xf32, #tpu.memory_space<vmem_shared>>
      tpu.wait_indirect_dma semaphore(%arg24 : memref<!tpu.dma_semaphore, #tpu.memory_space<semaphore_mem>>) src(%arg16 : memref<128xf32, #tpu.memory_space<vmem>>) dst(%dma_wait3A_139 : memref<10240xf32, #tpu.memory_space<vmem_shared>>)
      %dma_start3A_140 = arith.constant 0 : i32
      %dma_start3A_141 = tpu.memref_slice %arg15[%scan3A_97, %dma_start3A_140] : memref<80x128xi32, #tpu.memory_space<vmem>> -> memref<1x128xi32, #tpu.memory_space<vmem>>
      %dma_start3A_142 = tpu.memref_squeeze %dma_start3A_141 : memref<1x128xi32, #tpu.memory_space<vmem>> -> memref<128xi32, #tpu.memory_space<vmem>>
      %dma_start3A_143 = arith.constant 0 : i32
      %dma_start3A_144 = tpu.memref_slice %arg20[%dma_start3A_143] : memref<10240xf32, #tpu.memory_space<vmem_shared>> -> memref<10240xf32, #tpu.memory_space<vmem_shared>>
      tpu.enqueue_indirect_dma source(%arg16 : memref<128xf32, #tpu.memory_space<vmem>>) target(%dma_start3A_144 : memref<10240xf32, #tpu.memory_space<vmem_shared>>) offsets(%dma_start3A_142 : memref<128xi32, #tpu.memory_space<vmem>>) semaphore(%arg24 : memref<!tpu.dma_semaphore, #tpu.memory_space<semaphore_mem>>) {add = true}
    }
    %scan3A_44 = arith.constant 79 : i32
    %dma_wait3A = arith.constant 79 : i32
    %dma_wait3A_45 = arith.constant 0 : i32
    %dma_wait3A_46 = tpu.memref_slice %arg12[%dma_wait3A, %dma_wait3A_45] : memref<80x128xi32, #tpu.memory_space<vmem>> -> memref<1x128xi32, #tpu.memory_space<vmem>>
    %dma_wait3A_47 = tpu.memref_squeeze %dma_wait3A_46 : memref<1x128xi32, #tpu.memory_space<vmem>> -> memref<128xi32, #tpu.memory_space<vmem>>
    %dma_wait3A_48 = arith.constant 0 : i32
    %dma_wait3A_49 = tpu.memref_slice %arg17[%dma_wait3A_48] : memref<10240xf32, #tpu.memory_space<vmem_shared>> -> memref<10240xf32, #tpu.memory_space<vmem_shared>>
    tpu.wait_indirect_dma semaphore(%arg21 : memref<!tpu.dma_semaphore, #tpu.memory_space<semaphore_mem>>) src(%arg16 : memref<128xf32, #tpu.memory_space<vmem>>) dst(%dma_wait3A_49 : memref<10240xf32, #tpu.memory_space<vmem_shared>>)
    %dma_wait3A_50 = arith.constant 79 : i32
    %dma_wait3A_51 = arith.constant 0 : i32
    %dma_wait3A_52 = tpu.memref_slice %arg13[%dma_wait3A_50, %dma_wait3A_51] : memref<80x128xi32, #tpu.memory_space<vmem>> -> memref<1x128xi32, #tpu.memory_space<vmem>>
    %dma_wait3A_53 = tpu.memref_squeeze %dma_wait3A_52 : memref<1x128xi32, #tpu.memory_space<vmem>> -> memref<128xi32, #tpu.memory_space<vmem>>
    %dma_wait3A_54 = arith.constant 0 : i32
    %dma_wait3A_55 = tpu.memref_slice %arg18[%dma_wait3A_54] : memref<10240xf32, #tpu.memory_space<vmem_shared>> -> memref<10240xf32, #tpu.memory_space<vmem_shared>>
    tpu.wait_indirect_dma semaphore(%arg22 : memref<!tpu.dma_semaphore, #tpu.memory_space<semaphore_mem>>) src(%arg16 : memref<128xf32, #tpu.memory_space<vmem>>) dst(%dma_wait3A_55 : memref<10240xf32, #tpu.memory_space<vmem_shared>>)
    %dma_wait3A_56 = arith.constant 79 : i32
    %dma_wait3A_57 = arith.constant 0 : i32
    %dma_wait3A_58 = tpu.memref_slice %arg14[%dma_wait3A_56, %dma_wait3A_57] : memref<80x128xi32, #tpu.memory_space<vmem>> -> memref<1x128xi32, #tpu.memory_space<vmem>>
    %dma_wait3A_59 = tpu.memref_squeeze %dma_wait3A_58 : memref<1x128xi32, #tpu.memory_space<vmem>> -> memref<128xi32, #tpu.memory_space<vmem>>
    %dma_wait3A_60 = arith.constant 0 : i32
    %dma_wait3A_61 = tpu.memref_slice %arg19[%dma_wait3A_60] : memref<10240xf32, #tpu.memory_space<vmem_shared>> -> memref<10240xf32, #tpu.memory_space<vmem_shared>>
    tpu.wait_indirect_dma semaphore(%arg23 : memref<!tpu.dma_semaphore, #tpu.memory_space<semaphore_mem>>) src(%arg16 : memref<128xf32, #tpu.memory_space<vmem>>) dst(%dma_wait3A_61 : memref<10240xf32, #tpu.memory_space<vmem_shared>>)
    %dma_wait3A_62 = arith.constant 79 : i32
    %dma_wait3A_63 = arith.constant 0 : i32
    %dma_wait3A_64 = tpu.memref_slice %arg15[%dma_wait3A_62, %dma_wait3A_63] : memref<80x128xi32, #tpu.memory_space<vmem>> -> memref<1x128xi32, #tpu.memory_space<vmem>>
    %dma_wait3A_65 = tpu.memref_squeeze %dma_wait3A_64 : memref<1x128xi32, #tpu.memory_space<vmem>> -> memref<128xi32, #tpu.memory_space<vmem>>
    %dma_wait3A_66 = arith.constant 0 : i32
    %dma_wait3A_67 = tpu.memref_slice %arg20[%dma_wait3A_66] : memref<10240xf32, #tpu.memory_space<vmem_shared>> -> memref<10240xf32, #tpu.memory_space<vmem_shared>>
    tpu.wait_indirect_dma semaphore(%arg24 : memref<!tpu.dma_semaphore, #tpu.memory_space<semaphore_mem>>) src(%arg16 : memref<128xf32, #tpu.memory_space<vmem>>) dst(%dma_wait3A_67 : memref<10240xf32, #tpu.memory_space<vmem_shared>>)
    %barrier3A_68 = arith.constant 0 : index
    tpu.barrier barrier_id(%barrier3A_68)
    %mul3A_69 = arith.constant 640 : i32
    %mul3A_70 = arith.muli %arg1, %mul3A_69 : i32
    %mul3A_71 = arith.constant 10240 : i32
    %mul3A_72 = arith.muli %arg0, %mul3A_71 : i32
    %mul3A_73 = arith.constant 640 : i32
    %mul3A_74 = arith.muli %arg1, %mul3A_73 : i32
    %add3A_75 = arith.addi %mul3A_72, %mul3A_74 : i32
    "tpu.region"() ({
      %run_scoped3A = tpu.sem_alloc : memref<!tpu.dma_semaphore, #tpu.memory_space<semaphore_mem>>
      %dma_start3A_97 = tpu.memref_slice %arg8[%add3A_75] : memref<20480xf32, #tpu.memory_space<hbm>> -> memref<640xf32, #tpu.memory_space<hbm>>
      %dma_start3A_98 = tpu.memref_slice %arg17[%mul3A_70] : memref<10240xf32, #tpu.memory_space<vmem_shared>> -> memref<640xf32, #tpu.memory_space<vmem_shared>>
      tpu.enqueue_dma source(%dma_start3A_98 : memref<640xf32, #tpu.memory_space<vmem_shared>>) target(%dma_start3A_97 : memref<640xf32, #tpu.memory_space<hbm>>) target_semaphore(%run_scoped3A : memref<!tpu.dma_semaphore, #tpu.memory_space<semaphore_mem>>)
      %dma_wait3A_99 = tpu.memref_slice %arg8[%add3A_75] : memref<20480xf32, #tpu.memory_space<hbm>> -> memref<640xf32, #tpu.memory_space<hbm>>
      %dma_wait3A_100 = tpu.memref_slice %arg17[%mul3A_70] : memref<10240xf32, #tpu.memory_space<vmem_shared>> -> memref<640xf32, #tpu.memory_space<vmem_shared>>
      tpu.wait_dma2 semaphore(%run_scoped3A : memref<!tpu.dma_semaphore, #tpu.memory_space<semaphore_mem>>) src(%dma_wait3A_100 : memref<640xf32, #tpu.memory_space<vmem_shared>>) dst(%dma_wait3A_99 : memref<640xf32, #tpu.memory_space<hbm>>)
      tpu.yield
    }) : () -> ()
    %mul3A_76 = arith.constant 640 : i32
    %mul3A_77 = arith.muli %arg1, %mul3A_76 : i32
    %mul3A_78 = arith.constant 10240 : i32
    %mul3A_79 = arith.muli %arg0, %mul3A_78 : i32
    %mul3A_80 = arith.constant 640 : i32
    %mul3A_81 = arith.muli %arg1, %mul3A_80 : i32
    %add3A_82 = arith.addi %mul3A_79, %mul3A_81 : i32
    "tpu.region"() ({
      %run_scoped3A = tpu.sem_alloc : memref<!tpu.dma_semaphore, #tpu.memory_space<semaphore_mem>>
      %dma_start3A_97 = tpu.memref_slice %arg9[%add3A_82] : memref<20480xf32, #tpu.memory_space<hbm>> -> memref<640xf32, #tpu.memory_space<hbm>>
      %dma_start3A_98 = tpu.memref_slice %arg18[%mul3A_77] : memref<10240xf32, #tpu.memory_space<vmem_shared>> -> memref<640xf32, #tpu.memory_space<vmem_shared>>
      tpu.enqueue_dma source(%dma_start3A_98 : memref<640xf32, #tpu.memory_space<vmem_shared>>) target(%dma_start3A_97 : memref<640xf32, #tpu.memory_space<hbm>>) target_semaphore(%run_scoped3A : memref<!tpu.dma_semaphore, #tpu.memory_space<semaphore_mem>>)
      %dma_wait3A_99 = tpu.memref_slice %arg9[%add3A_82] : memref<20480xf32, #tpu.memory_space<hbm>> -> memref<640xf32, #tpu.memory_space<hbm>>
      %dma_wait3A_100 = tpu.memref_slice %arg18[%mul3A_77] : memref<10240xf32, #tpu.memory_space<vmem_shared>> -> memref<640xf32, #tpu.memory_space<vmem_shared>>
      tpu.wait_dma2 semaphore(%run_scoped3A : memref<!tpu.dma_semaphore, #tpu.memory_space<semaphore_mem>>) src(%dma_wait3A_100 : memref<640xf32, #tpu.memory_space<vmem_shared>>) dst(%dma_wait3A_99 : memref<640xf32, #tpu.memory_space<hbm>>)
      tpu.yield
    }) : () -> ()
    %mul3A_83 = arith.constant 640 : i32
    %mul3A_84 = arith.muli %arg1, %mul3A_83 : i32
    %mul3A_85 = arith.constant 10240 : i32
    %mul3A_86 = arith.muli %arg0, %mul3A_85 : i32
    %mul3A_87 = arith.constant 640 : i32
    %mul3A_88 = arith.muli %arg1, %mul3A_87 : i32
    %add3A_89 = arith.addi %mul3A_86, %mul3A_88 : i32
    "tpu.region"() ({
      %run_scoped3A = tpu.sem_alloc : memref<!tpu.dma_semaphore, #tpu.memory_space<semaphore_mem>>
      %dma_start3A_97 = tpu.memref_slice %arg10[%add3A_89] : memref<20480xf32, #tpu.memory_space<hbm>> -> memref<640xf32, #tpu.memory_space<hbm>>
      %dma_start3A_98 = tpu.memref_slice %arg19[%mul3A_84] : memref<10240xf32, #tpu.memory_space<vmem_shared>> -> memref<640xf32, #tpu.memory_space<vmem_shared>>
      tpu.enqueue_dma source(%dma_start3A_98 : memref<640xf32, #tpu.memory_space<vmem_shared>>) target(%dma_start3A_97 : memref<640xf32, #tpu.memory_space<hbm>>) target_semaphore(%run_scoped3A : memref<!tpu.dma_semaphore, #tpu.memory_space<semaphore_mem>>)
      %dma_wait3A_99 = tpu.memref_slice %arg10[%add3A_89] : memref<20480xf32, #tpu.memory_space<hbm>> -> memref<640xf32, #tpu.memory_space<hbm>>
      %dma_wait3A_100 = tpu.memref_slice %arg19[%mul3A_84] : memref<10240xf32, #tpu.memory_space<vmem_shared>> -> memref<640xf32, #tpu.memory_space<vmem_shared>>
      tpu.wait_dma2 semaphore(%run_scoped3A : memref<!tpu.dma_semaphore, #tpu.memory_space<semaphore_mem>>) src(%dma_wait3A_100 : memref<640xf32, #tpu.memory_space<vmem_shared>>) dst(%dma_wait3A_99 : memref<640xf32, #tpu.memory_space<hbm>>)
      tpu.yield
    }) : () -> ()
    %mul3A_90 = arith.constant 640 : i32
    %mul3A_91 = arith.muli %arg1, %mul3A_90 : i32
    %mul3A_92 = arith.constant 10240 : i32
    %mul3A_93 = arith.muli %arg0, %mul3A_92 : i32
    %mul3A_94 = arith.constant 640 : i32
    %mul3A_95 = arith.muli %arg1, %mul3A_94 : i32
    %add3A_96 = arith.addi %mul3A_93, %mul3A_95 : i32
    "tpu.region"() ({
      %run_scoped3A = tpu.sem_alloc : memref<!tpu.dma_semaphore, #tpu.memory_space<semaphore_mem>>
      %dma_start3A_97 = tpu.memref_slice %arg11[%add3A_96] : memref<20480xf32, #tpu.memory_space<hbm>> -> memref<640xf32, #tpu.memory_space<hbm>>
      %dma_start3A_98 = tpu.memref_slice %arg20[%mul3A_91] : memref<10240xf32, #tpu.memory_space<vmem_shared>> -> memref<640xf32, #tpu.memory_space<vmem_shared>>
      tpu.enqueue_dma source(%dma_start3A_98 : memref<640xf32, #tpu.memory_space<vmem_shared>>) target(%dma_start3A_97 : memref<640xf32, #tpu.memory_space<hbm>>) target_semaphore(%run_scoped3A : memref<!tpu.dma_semaphore, #tpu.memory_space<semaphore_mem>>)
      %dma_wait3A_99 = tpu.memref_slice %arg11[%add3A_96] : memref<20480xf32, #tpu.memory_space<hbm>> -> memref<640xf32, #tpu.memory_space<hbm>>
      %dma_wait3A_100 = tpu.memref_slice %arg20[%mul3A_91] : memref<10240xf32, #tpu.memory_space<vmem_shared>> -> memref<640xf32, #tpu.memory_space<vmem_shared>>
      tpu.wait_dma2 semaphore(%run_scoped3A : memref<!tpu.dma_semaphore, #tpu.memory_space<semaphore_mem>>) src(%dma_wait3A_100 : memref<640xf32, #tpu.memory_space<vmem_shared>>) dst(%dma_wait3A_99 : memref<640xf32, #tpu.memory_space<hbm>>)
      tpu.yield
    }) : () -> ()
    return
  }
}

#map = affine_map<(d0, d1) -> (0, 0)>
#map1 = affine_map<(d0, d1) -> (0)>
#map2 = affine_map<(d0, d1) -> (0, 0, 0)>
module attributes {stable_mosaic.version = 14 : i64} {
  func.func @_sc_spmm(%arg0: i32, %arg1: i32, %arg2: memref<20480x128xf32, #tpu.memory_space<hbm>>, %arg3: memref<640000xi32, #tpu.memory_space<hbm>>, %arg4: memref<640000xi32, #tpu.memory_space<hbm>>, %arg5: memref<640x128xf32, #tpu.memory_space<hbm>>, %arg6: memref<2x10240x128xf32, #tpu.memory_space<hbm>>, %arg7: memref<20000xi32, #tpu.memory_space<vmem>>, %arg8: memref<80xi32, #tpu.memory_space<vmem>>, %arg9: memref<80x128xf32, #tpu.memory_space<vmem>>, %arg10: memref<10240x128xf32, #tpu.memory_space<vmem_shared>>, %arg11: memref<!tpu.dma_semaphore, #tpu.memory_space<semaphore_mem>>) attributes {dimension_semantics = [#tpu.dimension_semantics<core_parallel>, #tpu.dimension_semantics<subcore_parallel>], iteration_bounds = array<i64: 2, 16>, scalar_prefetch = 0 : i64, scratch_operands = 5 : i64, tpu.core_type = #tpu.core_type<sc_vector_subcore>, window_params = [{transform_indices = #map}, {transform_indices = #map1}, {transform_indices = #map1}, {transform_indices = #map}, {transform_indices = #map2}]} {
    %mul3A = arith.constant 16 : i32
    %mul3A_0 = arith.muli %arg0, %mul3A : i32
    %add3A = arith.addi %mul3A_0, %arg1 : i32
    %mul3A_1 = arith.constant 20000 : i32
    %mul3A_2 = arith.muli %add3A, %mul3A_1 : i32
    %mul3A_3 = arith.constant 640 : i32
    %mul3A_4 = arith.muli %arg1, %mul3A_3 : i32
    "tpu.region"() ({
      %run_scoped3A = tpu.sem_alloc : memref<!tpu.dma_semaphore, #tpu.memory_space<semaphore_mem>>
      %dma_start3A = arith.constant 0 : i32
      %dma_start3A_15 = tpu.memref_slice %arg10[%mul3A_4, %dma_start3A] : memref<10240x128xf32, #tpu.memory_space<vmem_shared>> -> memref<640x128xf32, #tpu.memory_space<vmem_shared>>
      tpu.enqueue_dma source(%arg5 : memref<640x128xf32, #tpu.memory_space<hbm>>) target(%dma_start3A_15 : memref<640x128xf32, #tpu.memory_space<vmem_shared>>) target_semaphore(%run_scoped3A : memref<!tpu.dma_semaphore, #tpu.memory_space<semaphore_mem>>)
      %dma_wait3A = arith.constant 0 : i32
      %dma_wait3A_16 = tpu.memref_slice %arg10[%mul3A_4, %dma_wait3A] : memref<10240x128xf32, #tpu.memory_space<vmem_shared>> -> memref<640x128xf32, #tpu.memory_space<vmem_shared>>
      tpu.wait_dma2 semaphore(%run_scoped3A : memref<!tpu.dma_semaphore, #tpu.memory_space<semaphore_mem>>) src(%arg5 : memref<640x128xf32, #tpu.memory_space<hbm>>) dst(%dma_wait3A_16 : memref<640x128xf32, #tpu.memory_space<vmem_shared>>)
      tpu.yield
    }) : () -> ()
    "tpu.region"() ({
      %run_scoped3A = tpu.sem_alloc : memref<!tpu.dma_semaphore, #tpu.memory_space<semaphore_mem>>
      %dma_start3A = tpu.memref_slice %arg3[%mul3A_2] : memref<640000xi32, #tpu.memory_space<hbm>> -> memref<20000xi32, #tpu.memory_space<hbm>>
      %dma_start3A_15 = tpu.memref_slice %arg3[%mul3A_2] : memref<640000xi32, #tpu.memory_space<hbm>> -> memref<20000xi32, #tpu.memory_space<hbm>>
      tpu.enqueue_dma source(%dma_start3A_15 : memref<20000xi32, #tpu.memory_space<hbm>>) target(%arg7 : memref<20000xi32, #tpu.memory_space<vmem>>) target_semaphore(%run_scoped3A : memref<!tpu.dma_semaphore, #tpu.memory_space<semaphore_mem>>)
      %dma_wait3A = tpu.memref_slice %arg3[%mul3A_2] : memref<640000xi32, #tpu.memory_space<hbm>> -> memref<20000xi32, #tpu.memory_space<hbm>>
      %dma_wait3A_16 = tpu.memref_slice %arg3[%mul3A_2] : memref<640000xi32, #tpu.memory_space<hbm>> -> memref<20000xi32, #tpu.memory_space<hbm>>
      tpu.wait_dma2 semaphore(%run_scoped3A : memref<!tpu.dma_semaphore, #tpu.memory_space<semaphore_mem>>) src(%dma_wait3A_16 : memref<20000xi32, #tpu.memory_space<hbm>>) dst(%arg7 : memref<20000xi32, #tpu.memory_space<vmem>>)
      tpu.yield
    }) : () -> ()
    %barrier3A = arith.constant 0 : index
    tpu.barrier barrier_id(%barrier3A)
    %scan3A = arith.constant 0 : i32
    %scan3A_5 = arith.constant 0 : i32
    %scan3A_6 = arith.constant 250 : i32
    %scan3A_7 = arith.addi %scan3A_5, %scan3A_6 : i32
    %scan3A_8 = arith.constant 1 : i32
    scf.for %scan3A_15 = %scan3A_5 to %scan3A_7 step %scan3A_8  : i32 {
      %mul3A_16 = arith.constant 80 : i32
      %mul3A_17 = arith.muli %scan3A_15, %mul3A_16 : i32
      %add3A_18 = arith.addi %mul3A_2, %mul3A_17 : i32
      "tpu.region"() ({
        %run_scoped3A = tpu.sem_alloc : memref<!tpu.dma_semaphore, #tpu.memory_space<semaphore_mem>>
        %dma_start3A_27 = tpu.memref_slice %arg4[%add3A_18] : memref<640000xi32, #tpu.memory_space<hbm>> -> memref<80xi32, #tpu.memory_space<hbm>>
        %dma_start3A_28 = tpu.memref_slice %arg4[%add3A_18] : memref<640000xi32, #tpu.memory_space<hbm>> -> memref<80xi32, #tpu.memory_space<hbm>>
        tpu.enqueue_dma source(%dma_start3A_28 : memref<80xi32, #tpu.memory_space<hbm>>) target(%arg8 : memref<80xi32, #tpu.memory_space<vmem>>) target_semaphore(%run_scoped3A : memref<!tpu.dma_semaphore, #tpu.memory_space<semaphore_mem>>)
        %dma_wait3A_29 = tpu.memref_slice %arg4[%add3A_18] : memref<640000xi32, #tpu.memory_space<hbm>> -> memref<80xi32, #tpu.memory_space<hbm>>
        %dma_wait3A_30 = tpu.memref_slice %arg4[%add3A_18] : memref<640000xi32, #tpu.memory_space<hbm>> -> memref<80xi32, #tpu.memory_space<hbm>>
        tpu.wait_dma2 semaphore(%run_scoped3A : memref<!tpu.dma_semaphore, #tpu.memory_space<semaphore_mem>>) src(%dma_wait3A_30 : memref<80xi32, #tpu.memory_space<hbm>>) dst(%arg8 : memref<80xi32, #tpu.memory_space<vmem>>)
        tpu.yield
      }) : () -> ()
      %mul3A_19 = arith.constant 80 : i32
      %mul3A_20 = arith.muli %scan3A_15, %mul3A_19 : i32
      %dma_start3A = tpu.memref_slice %arg7[%mul3A_20] : memref<20000xi32, #tpu.memory_space<vmem>> -> memref<80xi32, #tpu.memory_space<vmem>>
      %dma_start3A_21 = arith.constant 0 : i32
      %dma_start3A_22 = arith.constant 0 : i32
      %dma_start3A_23 = tpu.memref_slice %arg2[%dma_start3A_21, %dma_start3A_22] : memref<20480x128xf32, #tpu.memory_space<hbm>> -> memref<20480x128xf32, #tpu.memory_space<hbm>>
      tpu.enqueue_indirect_dma source(%dma_start3A_23 : memref<20480x128xf32, #tpu.memory_space<hbm>>) target(%arg9 : memref<80x128xf32, #tpu.memory_space<vmem>>) offsets(%dma_start3A : memref<80xi32, #tpu.memory_space<vmem>>) semaphore(%arg11 : memref<!tpu.dma_semaphore, #tpu.memory_space<semaphore_mem>>)
      %dma_wait3A = tpu.memref_slice %arg7[%mul3A_20] : memref<20000xi32, #tpu.memory_space<vmem>> -> memref<80xi32, #tpu.memory_space<vmem>>
      %dma_wait3A_24 = arith.constant 0 : i32
      %dma_wait3A_25 = arith.constant 0 : i32
      %dma_wait3A_26 = tpu.memref_slice %arg2[%dma_wait3A_24, %dma_wait3A_25] : memref<20480x128xf32, #tpu.memory_space<hbm>> -> memref<20480x128xf32, #tpu.memory_space<hbm>>
      tpu.wait_indirect_dma semaphore(%arg11 : memref<!tpu.dma_semaphore, #tpu.memory_space<semaphore_mem>>) src(%dma_wait3A_26 : memref<20480x128xf32, #tpu.memory_space<hbm>>) dst(%arg9 : memref<80x128xf32, #tpu.memory_space<vmem>>)
      "tpu.region"() ({
        %run_scoped3A = tpu.sem_alloc : memref<!tpu.dma_semaphore, #tpu.memory_space<semaphore_mem>>
        %dma_start3A_27 = arith.constant 0 : i32
        %dma_start3A_28 = arith.constant 0 : i32
        %dma_start3A_29 = tpu.memref_slice %arg10[%dma_start3A_27, %dma_start3A_28] : memref<10240x128xf32, #tpu.memory_space<vmem_shared>> -> memref<10240x128xf32, #tpu.memory_space<vmem_shared>>
        tpu.enqueue_indirect_dma source(%arg9 : memref<80x128xf32, #tpu.memory_space<vmem>>) target(%dma_start3A_29 : memref<10240x128xf32, #tpu.memory_space<vmem_shared>>) offsets(%arg8 : memref<80xi32, #tpu.memory_space<vmem>>) semaphore(%run_scoped3A : memref<!tpu.dma_semaphore, #tpu.memory_space<semaphore_mem>>) {add = true}
        %dma_wait3A_30 = arith.constant 0 : i32
        %dma_wait3A_31 = arith.constant 0 : i32
        %dma_wait3A_32 = tpu.memref_slice %arg10[%dma_wait3A_30, %dma_wait3A_31] : memref<10240x128xf32, #tpu.memory_space<vmem_shared>> -> memref<10240x128xf32, #tpu.memory_space<vmem_shared>>
        tpu.wait_indirect_dma semaphore(%run_scoped3A : memref<!tpu.dma_semaphore, #tpu.memory_space<semaphore_mem>>) src(%arg9 : memref<80x128xf32, #tpu.memory_space<vmem>>) dst(%dma_wait3A_32 : memref<10240x128xf32, #tpu.memory_space<vmem_shared>>)
        tpu.yield
      }) : () -> ()
    }
    %scan3A_9 = arith.constant 250 : i32
    %barrier3A_10 = arith.constant 0 : index
    tpu.barrier barrier_id(%barrier3A_10)
    %mul3A_11 = arith.constant 640 : i32
    %mul3A_12 = arith.muli %arg1, %mul3A_11 : i32
    %mul3A_13 = arith.constant 640 : i32
    %mul3A_14 = arith.muli %arg1, %mul3A_13 : i32
    "tpu.region"() ({
      %run_scoped3A = tpu.sem_alloc : memref<!tpu.dma_semaphore, #tpu.memory_space<semaphore_mem>>
      %dma_start3A = arith.constant 0 : i32
      %dma_start3A_15 = tpu.memref_slice %arg6[%arg0, %mul3A_14, %dma_start3A] : memref<2x10240x128xf32, #tpu.memory_space<hbm>> -> memref<1x640x128xf32, #tpu.memory_space<hbm>>
      %dma_start3A_16 = tpu.memref_squeeze %dma_start3A_15 : memref<1x640x128xf32, #tpu.memory_space<hbm>> -> memref<640x128xf32, #tpu.memory_space<hbm>>
      %dma_start3A_17 = arith.constant 0 : i32
      %dma_start3A_18 = tpu.memref_slice %arg10[%mul3A_12, %dma_start3A_17] : memref<10240x128xf32, #tpu.memory_space<vmem_shared>> -> memref<640x128xf32, #tpu.memory_space<vmem_shared>>
      tpu.enqueue_dma source(%dma_start3A_18 : memref<640x128xf32, #tpu.memory_space<vmem_shared>>) target(%dma_start3A_16 : memref<640x128xf32, #tpu.memory_space<hbm>>) target_semaphore(%run_scoped3A : memref<!tpu.dma_semaphore, #tpu.memory_space<semaphore_mem>>)
      %dma_wait3A = arith.constant 0 : i32
      %dma_wait3A_19 = tpu.memref_slice %arg6[%arg0, %mul3A_14, %dma_wait3A] : memref<2x10240x128xf32, #tpu.memory_space<hbm>> -> memref<1x640x128xf32, #tpu.memory_space<hbm>>
      %dma_wait3A_20 = tpu.memref_squeeze %dma_wait3A_19 : memref<1x640x128xf32, #tpu.memory_space<hbm>> -> memref<640x128xf32, #tpu.memory_space<hbm>>
      %dma_wait3A_21 = arith.constant 0 : i32
      %dma_wait3A_22 = tpu.memref_slice %arg10[%mul3A_12, %dma_wait3A_21] : memref<10240x128xf32, #tpu.memory_space<vmem_shared>> -> memref<640x128xf32, #tpu.memory_space<vmem_shared>>
      tpu.wait_dma2 semaphore(%run_scoped3A : memref<!tpu.dma_semaphore, #tpu.memory_space<semaphore_mem>>) src(%dma_wait3A_22 : memref<640x128xf32, #tpu.memory_space<vmem_shared>>) dst(%dma_wait3A_20 : memref<640x128xf32, #tpu.memory_space<hbm>>)
      tpu.yield
    }) : () -> ()
    return
  }
}

#map = affine_map<(d0, d1) -> (0, 0)>
#map1 = affine_map<(d0, d1) -> (0)>
#map2 = affine_map<(d0, d1) -> (0, 0, 0)>
module attributes {stable_mosaic.version = 14 : i64} {
  func.func @_sc_spmm(%arg0: i32, %arg1: i32, %arg2: memref<20480x128xf32, #tpu.memory_space<hbm>>, %arg3: memref<640000xi32, #tpu.memory_space<hbm>>, %arg4: memref<640000xi32, #tpu.memory_space<hbm>>, %arg5: memref<640x128xf32, #tpu.memory_space<hbm>>, %arg6: memref<2x10240x128xf32, #tpu.memory_space<hbm>>, %arg7: memref<20000xi32, #tpu.memory_space<vmem>>, %arg8: memref<80xi32, #tpu.memory_space<vmem>>, %arg9: memref<80x128xf32, #tpu.memory_space<vmem>>, %arg10: memref<10240x128xf32, #tpu.memory_space<vmem_shared>>, %arg11: memref<!tpu.dma_semaphore, #tpu.memory_space<semaphore_mem>>) attributes {dimension_semantics = [#tpu.dimension_semantics<core_parallel>, #tpu.dimension_semantics<subcore_parallel>], iteration_bounds = array<i64: 2, 16>, scalar_prefetch = 0 : i64, scratch_operands = 5 : i64, tpu.core_type = #tpu.core_type<sc_vector_subcore>, window_params = [{transform_indices = #map}, {transform_indices = #map1}, {transform_indices = #map1}, {transform_indices = #map}, {transform_indices = #map2}]} {
    %mul3A = arith.constant 16 : i32
    %mul3A_0 = arith.muli %arg0, %mul3A : i32
    %add3A = arith.addi %mul3A_0, %arg1 : i32
    %mul3A_1 = arith.constant 20000 : i32
    %mul3A_2 = arith.muli %add3A, %mul3A_1 : i32
    %mul3A_3 = arith.constant 640 : i32
    %mul3A_4 = arith.muli %arg1, %mul3A_3 : i32
    "tpu.region"() ({
      %run_scoped3A = tpu.sem_alloc : memref<!tpu.dma_semaphore, #tpu.memory_space<semaphore_mem>>
      %dma_start3A = arith.constant 0 : i32
      %dma_start3A_15 = tpu.memref_slice %arg10[%mul3A_4, %dma_start3A] : memref<10240x128xf32, #tpu.memory_space<vmem_shared>> -> memref<640x128xf32, #tpu.memory_space<vmem_shared>>
      tpu.enqueue_dma source(%arg5 : memref<640x128xf32, #tpu.memory_space<hbm>>) target(%dma_start3A_15 : memref<640x128xf32, #tpu.memory_space<vmem_shared>>) target_semaphore(%run_scoped3A : memref<!tpu.dma_semaphore, #tpu.memory_space<semaphore_mem>>)
      %dma_wait3A = arith.constant 0 : i32
      %dma_wait3A_16 = tpu.memref_slice %arg10[%mul3A_4, %dma_wait3A] : memref<10240x128xf32, #tpu.memory_space<vmem_shared>> -> memref<640x128xf32, #tpu.memory_space<vmem_shared>>
      tpu.wait_dma2 semaphore(%run_scoped3A : memref<!tpu.dma_semaphore, #tpu.memory_space<semaphore_mem>>) src(%arg5 : memref<640x128xf32, #tpu.memory_space<hbm>>) dst(%dma_wait3A_16 : memref<640x128xf32, #tpu.memory_space<vmem_shared>>)
      tpu.yield
    }) : () -> ()
    "tpu.region"() ({
      %run_scoped3A = tpu.sem_alloc : memref<!tpu.dma_semaphore, #tpu.memory_space<semaphore_mem>>
      %dma_start3A = tpu.memref_slice %arg3[%mul3A_2] : memref<640000xi32, #tpu.memory_space<hbm>> -> memref<20000xi32, #tpu.memory_space<hbm>>
      %dma_start3A_15 = tpu.memref_slice %arg3[%mul3A_2] : memref<640000xi32, #tpu.memory_space<hbm>> -> memref<20000xi32, #tpu.memory_space<hbm>>
      tpu.enqueue_dma source(%dma_start3A_15 : memref<20000xi32, #tpu.memory_space<hbm>>) target(%arg7 : memref<20000xi32, #tpu.memory_space<vmem>>) target_semaphore(%run_scoped3A : memref<!tpu.dma_semaphore, #tpu.memory_space<semaphore_mem>>)
      %dma_wait3A = tpu.memref_slice %arg3[%mul3A_2] : memref<640000xi32, #tpu.memory_space<hbm>> -> memref<20000xi32, #tpu.memory_space<hbm>>
      %dma_wait3A_16 = tpu.memref_slice %arg3[%mul3A_2] : memref<640000xi32, #tpu.memory_space<hbm>> -> memref<20000xi32, #tpu.memory_space<hbm>>
      tpu.wait_dma2 semaphore(%run_scoped3A : memref<!tpu.dma_semaphore, #tpu.memory_space<semaphore_mem>>) src(%dma_wait3A_16 : memref<20000xi32, #tpu.memory_space<hbm>>) dst(%arg7 : memref<20000xi32, #tpu.memory_space<vmem>>)
      tpu.yield
    }) : () -> ()
    %barrier3A = arith.constant 0 : index
    tpu.barrier barrier_id(%barrier3A)
    %scan3A = arith.constant 0 : i32
    %scan3A_5 = arith.constant 0 : i32
    %scan3A_6 = arith.constant 250 : i32
    %scan3A_7 = arith.addi %scan3A_5, %scan3A_6 : i32
    %scan3A_8 = arith.constant 1 : i32
    scf.for %scan3A_15 = %scan3A_5 to %scan3A_7 step %scan3A_8  : i32 {
      %mul3A_16 = arith.constant 80 : i32
      %mul3A_17 = arith.muli %scan3A_15, %mul3A_16 : i32
      %add3A_18 = arith.addi %mul3A_2, %mul3A_17 : i32
      "tpu.region"() ({
        %run_scoped3A = tpu.sem_alloc : memref<!tpu.dma_semaphore, #tpu.memory_space<semaphore_mem>>
        %dma_start3A_27 = tpu.memref_slice %arg4[%add3A_18] : memref<640000xi32, #tpu.memory_space<hbm>> -> memref<80xi32, #tpu.memory_space<hbm>>
        %dma_start3A_28 = tpu.memref_slice %arg4[%add3A_18] : memref<640000xi32, #tpu.memory_space<hbm>> -> memref<80xi32, #tpu.memory_space<hbm>>
        tpu.enqueue_dma source(%dma_start3A_28 : memref<80xi32, #tpu.memory_space<hbm>>) target(%arg8 : memref<80xi32, #tpu.memory_space<vmem>>) target_semaphore(%run_scoped3A : memref<!tpu.dma_semaphore, #tpu.memory_space<semaphore_mem>>)
        %dma_wait3A_29 = tpu.memref_slice %arg4[%add3A_18] : memref<640000xi32, #tpu.memory_space<hbm>> -> memref<80xi32, #tpu.memory_space<hbm>>
        %dma_wait3A_30 = tpu.memref_slice %arg4[%add3A_18] : memref<640000xi32, #tpu.memory_space<hbm>> -> memref<80xi32, #tpu.memory_space<hbm>>
        tpu.wait_dma2 semaphore(%run_scoped3A : memref<!tpu.dma_semaphore, #tpu.memory_space<semaphore_mem>>) src(%dma_wait3A_30 : memref<80xi32, #tpu.memory_space<hbm>>) dst(%arg8 : memref<80xi32, #tpu.memory_space<vmem>>)
        tpu.yield
      }) : () -> ()
      %mul3A_19 = arith.constant 80 : i32
      %mul3A_20 = arith.muli %scan3A_15, %mul3A_19 : i32
      %dma_start3A = tpu.memref_slice %arg7[%mul3A_20] : memref<20000xi32, #tpu.memory_space<vmem>> -> memref<80xi32, #tpu.memory_space<vmem>>
      %dma_start3A_21 = arith.constant 0 : i32
      %dma_start3A_22 = arith.constant 0 : i32
      %dma_start3A_23 = tpu.memref_slice %arg2[%dma_start3A_21, %dma_start3A_22] : memref<20480x128xf32, #tpu.memory_space<hbm>> -> memref<20480x128xf32, #tpu.memory_space<hbm>>
      tpu.enqueue_indirect_dma source(%dma_start3A_23 : memref<20480x128xf32, #tpu.memory_space<hbm>>) target(%arg9 : memref<80x128xf32, #tpu.memory_space<vmem>>) offsets(%dma_start3A : memref<80xi32, #tpu.memory_space<vmem>>) semaphore(%arg11 : memref<!tpu.dma_semaphore, #tpu.memory_space<semaphore_mem>>)
      %dma_wait3A = tpu.memref_slice %arg7[%mul3A_20] : memref<20000xi32, #tpu.memory_space<vmem>> -> memref<80xi32, #tpu.memory_space<vmem>>
      %dma_wait3A_24 = arith.constant 0 : i32
      %dma_wait3A_25 = arith.constant 0 : i32
      %dma_wait3A_26 = tpu.memref_slice %arg2[%dma_wait3A_24, %dma_wait3A_25] : memref<20480x128xf32, #tpu.memory_space<hbm>> -> memref<20480x128xf32, #tpu.memory_space<hbm>>
      tpu.wait_indirect_dma semaphore(%arg11 : memref<!tpu.dma_semaphore, #tpu.memory_space<semaphore_mem>>) src(%dma_wait3A_26 : memref<20480x128xf32, #tpu.memory_space<hbm>>) dst(%arg9 : memref<80x128xf32, #tpu.memory_space<vmem>>)
      "tpu.region"() ({
        %run_scoped3A = tpu.sem_alloc : memref<!tpu.dma_semaphore, #tpu.memory_space<semaphore_mem>>
        %dma_start3A_27 = arith.constant 0 : i32
        %dma_start3A_28 = arith.constant 0 : i32
        %dma_start3A_29 = tpu.memref_slice %arg10[%dma_start3A_27, %dma_start3A_28] : memref<10240x128xf32, #tpu.memory_space<vmem_shared>> -> memref<10240x128xf32, #tpu.memory_space<vmem_shared>>
        tpu.enqueue_indirect_dma source(%arg9 : memref<80x128xf32, #tpu.memory_space<vmem>>) target(%dma_start3A_29 : memref<10240x128xf32, #tpu.memory_space<vmem_shared>>) offsets(%arg8 : memref<80xi32, #tpu.memory_space<vmem>>) semaphore(%run_scoped3A : memref<!tpu.dma_semaphore, #tpu.memory_space<semaphore_mem>>) {add = true}
        %dma_wait3A_30 = arith.constant 0 : i32
        %dma_wait3A_31 = arith.constant 0 : i32
        %dma_wait3A_32 = tpu.memref_slice %arg10[%dma_wait3A_30, %dma_wait3A_31] : memref<10240x128xf32, #tpu.memory_space<vmem_shared>> -> memref<10240x128xf32, #tpu.memory_space<vmem_shared>>
        tpu.wait_indirect_dma semaphore(%run_scoped3A : memref<!tpu.dma_semaphore, #tpu.memory_space<semaphore_mem>>) src(%arg9 : memref<80x128xf32, #tpu.memory_space<vmem>>) dst(%dma_wait3A_32 : memref<10240x128xf32, #tpu.memory_space<vmem_shared>>)
        tpu.yield
      }) : () -> ()
    }
    %scan3A_9 = arith.constant 250 : i32
    %barrier3A_10 = arith.constant 0 : index
    tpu.barrier barrier_id(%barrier3A_10)
    %mul3A_11 = arith.constant 640 : i32
    %mul3A_12 = arith.muli %arg1, %mul3A_11 : i32
    %mul3A_13 = arith.constant 640 : i32
    %mul3A_14 = arith.muli %arg1, %mul3A_13 : i32
    "tpu.region"() ({
      %run_scoped3A = tpu.sem_alloc : memref<!tpu.dma_semaphore, #tpu.memory_space<semaphore_mem>>
      %dma_start3A = arith.constant 0 : i32
      %dma_start3A_15 = tpu.memref_slice %arg6[%arg0, %mul3A_14, %dma_start3A] : memref<2x10240x128xf32, #tpu.memory_space<hbm>> -> memref<1x640x128xf32, #tpu.memory_space<hbm>>
      %dma_start3A_16 = tpu.memref_squeeze %dma_start3A_15 : memref<1x640x128xf32, #tpu.memory_space<hbm>> -> memref<640x128xf32, #tpu.memory_space<hbm>>
      %dma_start3A_17 = arith.constant 0 : i32
      %dma_start3A_18 = tpu.memref_slice %arg10[%mul3A_12, %dma_start3A_17] : memref<10240x128xf32, #tpu.memory_space<vmem_shared>> -> memref<640x128xf32, #tpu.memory_space<vmem_shared>>
      tpu.enqueue_dma source(%dma_start3A_18 : memref<640x128xf32, #tpu.memory_space<vmem_shared>>) target(%dma_start3A_16 : memref<640x128xf32, #tpu.memory_space<hbm>>) target_semaphore(%run_scoped3A : memref<!tpu.dma_semaphore, #tpu.memory_space<semaphore_mem>>)
      %dma_wait3A = arith.constant 0 : i32
      %dma_wait3A_19 = tpu.memref_slice %arg6[%arg0, %mul3A_14, %dma_wait3A] : memref<2x10240x128xf32, #tpu.memory_space<hbm>> -> memref<1x640x128xf32, #tpu.memory_space<hbm>>
      %dma_wait3A_20 = tpu.memref_squeeze %dma_wait3A_19 : memref<1x640x128xf32, #tpu.memory_space<hbm>> -> memref<640x128xf32, #tpu.memory_space<hbm>>
      %dma_wait3A_21 = arith.constant 0 : i32
      %dma_wait3A_22 = tpu.memref_slice %arg10[%mul3A_12, %dma_wait3A_21] : memref<10240x128xf32, #tpu.memory_space<vmem_shared>> -> memref<640x128xf32, #tpu.memory_space<vmem_shared>>
      tpu.wait_dma2 semaphore(%run_scoped3A : memref<!tpu.dma_semaphore, #tpu.memory_space<semaphore_mem>>) src(%dma_wait3A_22 : memref<640x128xf32, #tpu.memory_space<vmem_shared>>) dst(%dma_wait3A_20 : memref<640x128xf32, #tpu.memory_space<hbm>>)
      tpu.yield
    }) : () -> ()
    return
  }
}

module attributes {stable_mosaic.version = 14 : i64} {
  func.func @_prep_body(%arg0: i32, %arg1: memref<1x2000x128xf32, #tpu.memory_space<vmem>>, %arg2: memref<1x2000x1xf32, #tpu.memory_space<vmem>>, %arg3: memref<1x2000x1xf32, #tpu.memory_space<vmem>>, %arg4: memref<1x2000x128xf32, #tpu.memory_space<vmem>>, %arg5: memref<1x2000x1xf32, #tpu.memory_space<vmem>>, %arg6: memref<1x2000x1xf32, #tpu.memory_space<vmem>>) attributes {dimension_semantics = [#tpu.dimension_semantics<arbitrary>], iteration_bounds = array<i64: 10>, scalar_prefetch = 0 : i64, scratch_operands = 0 : i64, tpu.core_type = #tpu.core_type<tc>, window_params = [{transform_indices = @transform_0, window_bounds = array<i64: 1, 2000, 128>}, {transform_indices = @transform_1, window_bounds = array<i64: 1, 2000, 1>}, {transform_indices = @transform_2, window_bounds = array<i64: 1, 2000, 1>}, {transform_indices = @transform_3, window_bounds = array<i64: 1, 2000, 128>}, {transform_indices = @transform_4, window_bounds = array<i64: 1, 2000, 1>}, {transform_indices = @transform_5, window_bounds = array<i64: 1, 2000, 1>}]} {
    %get3A = arith.constant 0 : index
    %get3A_0 = arith.constant 0 : index
    %get3A_1 = arith.constant 0 : index
    %get3A_2 = vector.load %arg2[%get3A, %get3A_0, %get3A_1] : memref<1x2000x1xf32, #tpu.memory_space<vmem>>, vector<1x2000x1xf32>
    %get3A_3 = vector.shape_cast %get3A_2 : vector<1x2000x1xf32> to vector<2000x1xf32>
    %get3A_4 = arith.constant 0 : index
    %get3A_5 = arith.constant 0 : index
    %get3A_6 = arith.constant 0 : index
    %get3A_7 = vector.load %arg3[%get3A_4, %get3A_5, %get3A_6] : memref<1x2000x1xf32, #tpu.memory_space<vmem>>, vector<1x2000x1xf32>
    %get3A_8 = vector.shape_cast %get3A_7 : vector<1x2000x1xf32> to vector<2000x1xf32>
    %gt3A = arith.constant 0.000000e+00 : f32
    %gt3A_9 = vector.broadcast %gt3A : f32 to vector<2000x1xf32>
    %gt3A_10 = arith.cmpf ogt, %get3A_3, %gt3A_9 : vector<2000x1xf32>
    %jit3A = arith.constant 1.000000e+00 : f32
    %broadcast_in_dim3A = vector.broadcast %jit3A : f32 to vector<2000x1xf32>
    %select_n3A = arith.select %gt3A_10, %get3A_3, %broadcast_in_dim3A : vector<2000x1xi1>, vector<2000x1xf32>
    %rsqrt3A = math.rsqrt %select_n3A : vector<2000x1xf32>
    %gt3A_11 = arith.constant 0.000000e+00 : f32
    %gt3A_12 = vector.broadcast %gt3A_11 : f32 to vector<2000x1xf32>
    %gt3A_13 = arith.cmpf ogt, %get3A_8, %gt3A_12 : vector<2000x1xf32>
    %jit3A_14 = arith.constant 1.000000e+00 : f32
    %broadcast_in_dim3A_15 = vector.broadcast %jit3A_14 : f32 to vector<2000x1xf32>
    %select_n3A_16 = arith.select %gt3A_13, %get3A_8, %broadcast_in_dim3A_15 : vector<2000x1xi1>, vector<2000x1xf32>
    %rsqrt3A_17 = math.rsqrt %select_n3A_16 : vector<2000x1xf32>
    %swap3A = arith.constant 0 : index
    %swap3A_18 = arith.constant 0 : index
    %swap3A_19 = arith.constant 0 : index
    %swap3A_20 = vector.load %arg5[%swap3A, %swap3A_18, %swap3A_19] : memref<1x2000x1xf32, #tpu.memory_space<vmem>>, vector<1x2000x1xf32>
    %swap3A_21 = vector.shape_cast %swap3A_20 : vector<1x2000x1xf32> to vector<2000x1xf32>
    %swap3A_22 = vector.shape_cast %rsqrt3A : vector<2000x1xf32> to vector<1x2000x1xf32>
    tpu.vector_store %arg5[%swap3A, %swap3A_18, %swap3A_19], %swap3A_22 {strides = array<i32>} : memref<1x2000x1xf32, #tpu.memory_space<vmem>>, vector<1x2000x1xf32>,
    %swap3A_23 = arith.constant 0 : index
    %swap3A_24 = arith.constant 0 : index
    %swap3A_25 = arith.constant 0 : index
    %swap3A_26 = vector.load %arg6[%swap3A_23, %swap3A_24, %swap3A_25] : memref<1x2000x1xf32, #tpu.memory_space<vmem>>, vector<1x2000x1xf32>
    %swap3A_27 = vector.shape_cast %swap3A_26 : vector<1x2000x1xf32> to vector<2000x1xf32>
    %swap3A_28 = vector.shape_cast %rsqrt3A_17 : vector<2000x1xf32> to vector<1x2000x1xf32>
    tpu.vector_store %arg6[%swap3A_23, %swap3A_24, %swap3A_25], %swap3A_28 {strides = array<i32>} : memref<1x2000x1xf32, #tpu.memory_space<vmem>>, vector<1x2000x1xf32>,
    %get3A_29 = arith.constant 0 : index
    %get3A_30 = arith.constant 0 : index
    %get3A_31 = arith.constant 0 : index
    %get3A_32 = vector.load %arg1[%get3A_29, %get3A_30, %get3A_31] : memref<1x2000x128xf32, #tpu.memory_space<vmem>>, vector<1x2000x128xf32>
    %get3A_33 = vector.shape_cast %get3A_32 : vector<1x2000x128xf32> to vector<2000x128xf32>
    %mul3A = vector.broadcast %rsqrt3A : vector<2000x1xf32> to vector<2000x128xf32>
    %mul3A_34 = arith.mulf %get3A_33, %mul3A : vector<2000x128xf32>
    %swap3A_35 = arith.constant 0 : index
    %swap3A_36 = arith.constant 0 : index
    %swap3A_37 = arith.constant 0 : index
    %swap3A_38 = vector.load %arg4[%swap3A_35, %swap3A_36, %swap3A_37] : memref<1x2000x128xf32, #tpu.memory_space<vmem>>, vector<1x2000x128xf32>
    %swap3A_39 = vector.shape_cast %swap3A_38 : vector<1x2000x128xf32> to vector<2000x128xf32>
    %swap3A_40 = vector.shape_cast %mul3A_34 : vector<2000x128xf32> to vector<1x2000x128xf32>
    tpu.vector_store %arg4[%swap3A_35, %swap3A_36, %swap3A_37], %swap3A_40 {strides = array<i32>} : memref<1x2000x128xf32, #tpu.memory_space<vmem>>, vector<1x2000x128xf32>,
    return
  }
  func.func @transform_0(%arg0: i32) -> (i32, i32, i32) {
    %jit3A = arith.constant 5 : i32
    %div3A = arith.divsi %arg0, %jit3A : i32
    %sign3A = arith.constant 0 : i32
    %sign3A_0 = arith.cmpi sgt, %arg0, %sign3A : i32
    %sign3A_1 = arith.extui %sign3A_0 : i1 to i32
    %sign3A_2 = arith.constant 0 : i32
    %sign3A_3 = arith.cmpi slt, %arg0, %sign3A_2 : i32
    %sign3A_4 = arith.extui %sign3A_3 : i1 to i32
    %sign3A_5 = arith.subi %sign3A_1, %sign3A_4 : i32
    %sign3A_6 = arith.constant 0 : i32
    %sign3A_7 = arith.cmpi sgt, %jit3A, %sign3A_6 : i32
    %sign3A_8 = arith.extui %sign3A_7 : i1 to i32
    %sign3A_9 = arith.constant 0 : i32
    %sign3A_10 = arith.cmpi slt, %jit3A, %sign3A_9 : i32
    %sign3A_11 = arith.extui %sign3A_10 : i1 to i32
    %sign3A_12 = arith.subi %sign3A_8, %sign3A_11 : i32
    %ne3A = arith.cmpi ne, %sign3A_5, %sign3A_12 : i32
    %rem3A = arith.remsi %arg0, %jit3A : i32
    %ne3A_13 = arith.constant 0 : i32
    %ne3A_14 = arith.cmpi ne, %rem3A, %ne3A_13 : i32
    %and3A = arith.andi %ne3A, %ne3A_14 : i1
    %sub3A = arith.constant 1 : i32
    %sub3A_15 = arith.subi %div3A, %sub3A : i32
    %select_n3A = arith.select %and3A, %sub3A_15, %div3A : i32
    %jit3A_16 = arith.constant 5 : i32
    %eq3A = arith.constant 0 : i32
    %eq3A_17 = arith.cmpi eq, %jit3A_16, %eq3A : i32
    %jit3A_18 = arith.constant 1 : i32
    %select_n3A_19 = arith.select %eq3A_17, %jit3A_18, %jit3A_16 : i32
    %rem3A_20 = arith.remsi %arg0, %select_n3A_19 : i32
    %ne3A_21 = arith.constant 0 : i32
    %ne3A_22 = arith.cmpi ne, %rem3A_20, %ne3A_21 : i32
    %lt3A = arith.constant 0 : i32
    %lt3A_23 = arith.cmpi slt, %rem3A_20, %lt3A : i32
    %lt3A_24 = arith.constant 0 : i32
    %lt3A_25 = arith.cmpi slt, %select_n3A_19, %lt3A_24 : i32
    %ne3A_26 = arith.xori %lt3A_23, %lt3A_25 : i1
    %and3A_27 = arith.andi %ne3A_26, %ne3A_22 : i1
    %add3A = arith.addi %rem3A_20, %select_n3A_19 : i32
    %select_n3A_28 = arith.select %and3A_27, %add3A, %rem3A_20 : i32
    %c0_i32 = arith.constant 0 : i32
    %c0_i32_29 = arith.constant 0 : i32
    return %select_n3A, %select_n3A_28, %c0_i32 : i32, i32, i32
  }
  func.func @transform_1(%arg0: i32) -> (i32, i32, i32) {
    %jit3A = arith.constant 5 : i32
    %div3A = arith.divsi %arg0, %jit3A : i32
    %sign3A = arith.constant 0 : i32
    %sign3A_0 = arith.cmpi sgt, %arg0, %sign3A : i32
    %sign3A_1 = arith.extui %sign3A_0 : i1 to i32
    %sign3A_2 = arith.constant 0 : i32
    %sign3A_3 = arith.cmpi slt, %arg0, %sign3A_2 : i32
    %sign3A_4 = arith.extui %sign3A_3 : i1 to i32
    %sign3A_5 = arith.subi %sign3A_1, %sign3A_4 : i32
    %sign3A_6 = arith.constant 0 : i32
    %sign3A_7 = arith.cmpi sgt, %jit3A, %sign3A_6 : i32
    %sign3A_8 = arith.extui %sign3A_7 : i1 to i32
    %sign3A_9 = arith.constant 0 : i32
    %sign3A_10 = arith.cmpi slt, %jit3A, %sign3A_9 : i32
    %sign3A_11 = arith.extui %sign3A_10 : i1 to i32
    %sign3A_12 = arith.subi %sign3A_8, %sign3A_11 : i32
    %ne3A = arith.cmpi ne, %sign3A_5, %sign3A_12 : i32
    %rem3A = arith.remsi %arg0, %jit3A : i32
    %ne3A_13 = arith.constant 0 : i32
    %ne3A_14 = arith.cmpi ne, %rem3A, %ne3A_13 : i32
    %and3A = arith.andi %ne3A, %ne3A_14 : i1
    %sub3A = arith.constant 1 : i32
    %sub3A_15 = arith.subi %div3A, %sub3A : i32
    %select_n3A = arith.select %and3A, %sub3A_15, %div3A : i32
    %jit3A_16 = arith.constant 5 : i32
    %eq3A = arith.constant 0 : i32
    %eq3A_17 = arith.cmpi eq, %jit3A_16, %eq3A : i32
    %jit3A_18 = arith.constant 1 : i32
    %select_n3A_19 = arith.select %eq3A_17, %jit3A_18, %jit3A_16 : i32
    %rem3A_20 = arith.remsi %arg0, %select_n3A_19 : i32
    %ne3A_21 = arith.constant 0 : i32
    %ne3A_22 = arith.cmpi ne, %rem3A_20, %ne3A_21 : i32
    %lt3A = arith.constant 0 : i32
    %lt3A_23 = arith.cmpi slt, %rem3A_20, %lt3A : i32
    %lt3A_24 = arith.constant 0 : i32
    %lt3A_25 = arith.cmpi slt, %select_n3A_19, %lt3A_24 : i32
    %ne3A_26 = arith.xori %lt3A_23, %lt3A_25 : i1
    %and3A_27 = arith.andi %ne3A_26, %ne3A_22 : i1
    %add3A = arith.addi %rem3A_20, %select_n3A_19 : i32
    %select_n3A_28 = arith.select %and3A_27, %add3A, %rem3A_20 : i32
    %c0_i32 = arith.constant 0 : i32
    %c0_i32_29 = arith.constant 0 : i32
    return %select_n3A, %select_n3A_28, %c0_i32 : i32, i32, i32
  }
  func.func @transform_2(%arg0: i32) -> (i32, i32, i32) {
    %jit3A = arith.constant 5 : i32
    %div3A = arith.divsi %arg0, %jit3A : i32
    %sign3A = arith.constant 0 : i32
    %sign3A_0 = arith.cmpi sgt, %arg0, %sign3A : i32
    %sign3A_1 = arith.extui %sign3A_0 : i1 to i32
    %sign3A_2 = arith.constant 0 : i32
    %sign3A_3 = arith.cmpi slt, %arg0, %sign3A_2 : i32
    %sign3A_4 = arith.extui %sign3A_3 : i1 to i32
    %sign3A_5 = arith.subi %sign3A_1, %sign3A_4 : i32
    %sign3A_6 = arith.constant 0 : i32
    %sign3A_7 = arith.cmpi sgt, %jit3A, %sign3A_6 : i32
    %sign3A_8 = arith.extui %sign3A_7 : i1 to i32
    %sign3A_9 = arith.constant 0 : i32
    %sign3A_10 = arith.cmpi slt, %jit3A, %sign3A_9 : i32
    %sign3A_11 = arith.extui %sign3A_10 : i1 to i32
    %sign3A_12 = arith.subi %sign3A_8, %sign3A_11 : i32
    %ne3A = arith.cmpi ne, %sign3A_5, %sign3A_12 : i32
    %rem3A = arith.remsi %arg0, %jit3A : i32
    %ne3A_13 = arith.constant 0 : i32
    %ne3A_14 = arith.cmpi ne, %rem3A, %ne3A_13 : i32
    %and3A = arith.andi %ne3A, %ne3A_14 : i1
    %sub3A = arith.constant 1 : i32
    %sub3A_15 = arith.subi %div3A, %sub3A : i32
    %select_n3A = arith.select %and3A, %sub3A_15, %div3A : i32
    %jit3A_16 = arith.constant 5 : i32
    %eq3A = arith.constant 0 : i32
    %eq3A_17 = arith.cmpi eq, %jit3A_16, %eq3A : i32
    %jit3A_18 = arith.constant 1 : i32
    %select_n3A_19 = arith.select %eq3A_17, %jit3A_18, %jit3A_16 : i32
    %rem3A_20 = arith.remsi %arg0, %select_n3A_19 : i32
    %ne3A_21 = arith.constant 0 : i32
    %ne3A_22 = arith.cmpi ne, %rem3A_20, %ne3A_21 : i32
    %lt3A = arith.constant 0 : i32
    %lt3A_23 = arith.cmpi slt, %rem3A_20, %lt3A : i32
    %lt3A_24 = arith.constant 0 : i32
    %lt3A_25 = arith.cmpi slt, %select_n3A_19, %lt3A_24 : i32
    %ne3A_26 = arith.xori %lt3A_23, %lt3A_25 : i1
    %and3A_27 = arith.andi %ne3A_26, %ne3A_22 : i1
    %add3A = arith.addi %rem3A_20, %select_n3A_19 : i32
    %select_n3A_28 = arith.select %and3A_27, %add3A, %rem3A_20 : i32
    %c0_i32 = arith.constant 0 : i32
    %c0_i32_29 = arith.constant 0 : i32
    return %select_n3A, %select_n3A_28, %c0_i32 : i32, i32, i32
  }
  func.func @transform_3(%arg0: i32) -> (i32, i32, i32) {
    %jit3A = arith.constant 5 : i32
    %div3A = arith.divsi %arg0, %jit3A : i32
    %sign3A = arith.constant 0 : i32
    %sign3A_0 = arith.cmpi sgt, %arg0, %sign3A : i32
    %sign3A_1 = arith.extui %sign3A_0 : i1 to i32
    %sign3A_2 = arith.constant 0 : i32
    %sign3A_3 = arith.cmpi slt, %arg0, %sign3A_2 : i32
    %sign3A_4 = arith.extui %sign3A_3 : i1 to i32
    %sign3A_5 = arith.subi %sign3A_1, %sign3A_4 : i32
    %sign3A_6 = arith.constant 0 : i32
    %sign3A_7 = arith.cmpi sgt, %jit3A, %sign3A_6 : i32
    %sign3A_8 = arith.extui %sign3A_7 : i1 to i32
    %sign3A_9 = arith.constant 0 : i32
    %sign3A_10 = arith.cmpi slt, %jit3A, %sign3A_9 : i32
    %sign3A_11 = arith.extui %sign3A_10 : i1 to i32
    %sign3A_12 = arith.subi %sign3A_8, %sign3A_11 : i32
    %ne3A = arith.cmpi ne, %sign3A_5, %sign3A_12 : i32
    %rem3A = arith.remsi %arg0, %jit3A : i32
    %ne3A_13 = arith.constant 0 : i32
    %ne3A_14 = arith.cmpi ne, %rem3A, %ne3A_13 : i32
    %and3A = arith.andi %ne3A, %ne3A_14 : i1
    %sub3A = arith.constant 1 : i32
    %sub3A_15 = arith.subi %div3A, %sub3A : i32
    %select_n3A = arith.select %and3A, %sub3A_15, %div3A : i32
    %jit3A_16 = arith.constant 5 : i32
    %eq3A = arith.constant 0 : i32
    %eq3A_17 = arith.cmpi eq, %jit3A_16, %eq3A : i32
    %jit3A_18 = arith.constant 1 : i32
    %select_n3A_19 = arith.select %eq3A_17, %jit3A_18, %jit3A_16 : i32
    %rem3A_20 = arith.remsi %arg0, %select_n3A_19 : i32
    %ne3A_21 = arith.constant 0 : i32
    %ne3A_22 = arith.cmpi ne, %rem3A_20, %ne3A_21 : i32
    %lt3A = arith.constant 0 : i32
    %lt3A_23 = arith.cmpi slt, %rem3A_20, %lt3A : i32
    %lt3A_24 = arith.constant 0 : i32
    %lt3A_25 = arith.cmpi slt, %select_n3A_19, %lt3A_24 : i32
    %ne3A_26 = arith.xori %lt3A_23, %lt3A_25 : i1
    %and3A_27 = arith.andi %ne3A_26, %ne3A_22 : i1
    %add3A = arith.addi %rem3A_20, %select_n3A_19 : i32
    %select_n3A_28 = arith.select %and3A_27, %add3A, %rem3A_20 : i32
    %c0_i32 = arith.constant 0 : i32
    %c0_i32_29 = arith.constant 0 : i32
    return %select_n3A, %select_n3A_28, %c0_i32 : i32, i32, i32
  }
  func.func @transform_4(%arg0: i32) -> (i32, i32, i32) {
    %jit3A = arith.constant 5 : i32
    %div3A = arith.divsi %arg0, %jit3A : i32
    %sign3A = arith.constant 0 : i32
    %sign3A_0 = arith.cmpi sgt, %arg0, %sign3A : i32
    %sign3A_1 = arith.extui %sign3A_0 : i1 to i32
    %sign3A_2 = arith.constant 0 : i32
    %sign3A_3 = arith.cmpi slt, %arg0, %sign3A_2 : i32
    %sign3A_4 = arith.extui %sign3A_3 : i1 to i32
    %sign3A_5 = arith.subi %sign3A_1, %sign3A_4 : i32
    %sign3A_6 = arith.constant 0 : i32
    %sign3A_7 = arith.cmpi sgt, %jit3A, %sign3A_6 : i32
    %sign3A_8 = arith.extui %sign3A_7 : i1 to i32
    %sign3A_9 = arith.constant 0 : i32
    %sign3A_10 = arith.cmpi slt, %jit3A, %sign3A_9 : i32
    %sign3A_11 = arith.extui %sign3A_10 : i1 to i32
    %sign3A_12 = arith.subi %sign3A_8, %sign3A_11 : i32
    %ne3A = arith.cmpi ne, %sign3A_5, %sign3A_12 : i32
    %rem3A = arith.remsi %arg0, %jit3A : i32
    %ne3A_13 = arith.constant 0 : i32
    %ne3A_14 = arith.cmpi ne, %rem3A, %ne3A_13 : i32
    %and3A = arith.andi %ne3A, %ne3A_14 : i1
    %sub3A = arith.constant 1 : i32
    %sub3A_15 = arith.subi %div3A, %sub3A : i32
    %select_n3A = arith.select %and3A, %sub3A_15, %div3A : i32
    %jit3A_16 = arith.constant 5 : i32
    %eq3A = arith.constant 0 : i32
    %eq3A_17 = arith.cmpi eq, %jit3A_16, %eq3A : i32
    %jit3A_18 = arith.constant 1 : i32
    %select_n3A_19 = arith.select %eq3A_17, %jit3A_18, %jit3A_16 : i32
    %rem3A_20 = arith.remsi %arg0, %select_n3A_19 : i32
    %ne3A_21 = arith.constant 0 : i32
    %ne3A_22 = arith.cmpi ne, %rem3A_20, %ne3A_21 : i32
    %lt3A = arith.constant 0 : i32
    %lt3A_23 = arith.cmpi slt, %rem3A_20, %lt3A : i32
    %lt3A_24 = arith.constant 0 : i32
    %lt3A_25 = arith.cmpi slt, %select_n3A_19, %lt3A_24 : i32
    %ne3A_26 = arith.xori %lt3A_23, %lt3A_25 : i1
    %and3A_27 = arith.andi %ne3A_26, %ne3A_22 : i1
    %add3A = arith.addi %rem3A_20, %select_n3A_19 : i32
    %select_n3A_28 = arith.select %and3A_27, %add3A, %rem3A_20 : i32
    %c0_i32 = arith.constant 0 : i32
    %c0_i32_29 = arith.constant 0 : i32
    return %select_n3A, %select_n3A_28, %c0_i32 : i32, i32, i32
  }
  func.func @transform_5(%arg0: i32) -> (i32, i32, i32) {
    %jit3A = arith.constant 5 : i32
    %div3A = arith.divsi %arg0, %jit3A : i32
    %sign3A = arith.constant 0 : i32
    %sign3A_0 = arith.cmpi sgt, %arg0, %sign3A : i32
    %sign3A_1 = arith.extui %sign3A_0 : i1 to i32
    %sign3A_2 = arith.constant 0 : i32
    %sign3A_3 = arith.cmpi slt, %arg0, %sign3A_2 : i32
    %sign3A_4 = arith.extui %sign3A_3 : i1 to i32
    %sign3A_5 = arith.subi %sign3A_1, %sign3A_4 : i32
    %sign3A_6 = arith.constant 0 : i32
    %sign3A_7 = arith.cmpi sgt, %jit3A, %sign3A_6 : i32
    %sign3A_8 = arith.extui %sign3A_7 : i1 to i32
    %sign3A_9 = arith.constant 0 : i32
    %sign3A_10 = arith.cmpi slt, %jit3A, %sign3A_9 : i32
    %sign3A_11 = arith.extui %sign3A_10 : i1 to i32
    %sign3A_12 = arith.subi %sign3A_8, %sign3A_11 : i32
    %ne3A = arith.cmpi ne, %sign3A_5, %sign3A_12 : i32
    %rem3A = arith.remsi %arg0, %jit3A : i32
    %ne3A_13 = arith.constant 0 : i32
    %ne3A_14 = arith.cmpi ne, %rem3A, %ne3A_13 : i32
    %and3A = arith.andi %ne3A, %ne3A_14 : i1
    %sub3A = arith.constant 1 : i32
    %sub3A_15 = arith.subi %div3A, %sub3A : i32
    %select_n3A = arith.select %and3A, %sub3A_15, %div3A : i32
    %jit3A_16 = arith.constant 5 : i32
    %eq3A = arith.constant 0 : i32
    %eq3A_17 = arith.cmpi eq, %jit3A_16, %eq3A : i32
    %jit3A_18 = arith.constant 1 : i32
    %select_n3A_19 = arith.select %eq3A_17, %jit3A_18, %jit3A_16 : i32
    %rem3A_20 = arith.remsi %arg0, %select_n3A_19 : i32
    %ne3A_21 = arith.constant 0 : i32
    %ne3A_22 = arith.cmpi ne, %rem3A_20, %ne3A_21 : i32
    %lt3A = arith.constant 0 : i32
    %lt3A_23 = arith.cmpi slt, %rem3A_20, %lt3A : i32
    %lt3A_24 = arith.constant 0 : i32
    %lt3A_25 = arith.cmpi slt, %select_n3A_19, %lt3A_24 : i32
    %ne3A_26 = arith.xori %lt3A_23, %lt3A_25 : i1
    %and3A_27 = arith.andi %ne3A_26, %ne3A_22 : i1
    %add3A = arith.addi %rem3A_20, %select_n3A_19 : i32
    %select_n3A_28 = arith.select %and3A_27, %add3A, %rem3A_20 : i32
    %c0_i32 = arith.constant 0 : i32
    %c0_i32_29 = arith.constant 0 : i32
    return %select_n3A, %select_n3A_28, %c0_i32 : i32, i32, i32
  }
}

module attributes {stable_mosaic.version = 14 : i64} {
  func.func @_mm1_body(%arg0: i32, %arg1: memref<1x2000x128xf32, #tpu.memory_space<vmem>>, %arg2: memref<1x2000x1xf32, #tpu.memory_space<vmem>>, %arg3: memref<1x2000x1xf32, #tpu.memory_space<vmem>>, %arg4: memref<128x128xf32, #tpu.memory_space<vmem>>, %arg5: memref<1x128xf32, #tpu.memory_space<vmem>>, %arg6: memref<1x2000x128xf32, #tpu.memory_space<vmem>>) attributes {dimension_semantics = [#tpu.dimension_semantics<arbitrary>], iteration_bounds = array<i64: 10>, scalar_prefetch = 0 : i64, scratch_operands = 0 : i64, tpu.core_type = #tpu.core_type<tc>, window_params = [{transform_indices = @transform_0, window_bounds = array<i64: 1, 2000, 128>}, {transform_indices = @transform_1, window_bounds = array<i64: 1, 2000, 1>}, {transform_indices = @transform_2, window_bounds = array<i64: 1, 2000, 1>}, {pipeline_mode = #tpu.pipeline_mode<synchronous>, transform_indices = @transform_3, window_bounds = array<i64: 128, 128>}, {pipeline_mode = #tpu.pipeline_mode<synchronous>, transform_indices = @transform_4, window_bounds = array<i64: 1, 128>}, {transform_indices = @transform_5, window_bounds = array<i64: 1, 2000, 128>}]} {
    %get3A = arith.constant 0 : index
    %get3A_0 = arith.constant 0 : index
    %get3A_1 = arith.constant 0 : index
    %get3A_2 = vector.load %arg1[%get3A, %get3A_0, %get3A_1] : memref<1x2000x128xf32, #tpu.memory_space<vmem>>, vector<1x2000x128xf32>
    %get3A_3 = vector.shape_cast %get3A_2 : vector<1x2000x128xf32> to vector<2000x128xf32>
    %get3A_4 = arith.constant 0 : index
    %get3A_5 = arith.constant 0 : index
    %get3A_6 = arith.constant 0 : index
    %get3A_7 = vector.load %arg2[%get3A_4, %get3A_5, %get3A_6] : memref<1x2000x1xf32, #tpu.memory_space<vmem>>, vector<1x2000x1xf32>
    %get3A_8 = vector.shape_cast %get3A_7 : vector<1x2000x1xf32> to vector<2000x1xf32>
    %mul3A = vector.broadcast %get3A_8 : vector<2000x1xf32> to vector<2000x128xf32>
    %mul3A_9 = arith.mulf %get3A_3, %mul3A : vector<2000x128xf32>
    %get3A_10 = arith.constant 0 : index
    %get3A_11 = arith.constant 0 : index
    %get3A_12 = vector.load %arg4[%get3A_10, %get3A_11] : memref<128x128xf32, #tpu.memory_space<vmem>>, vector<128x128xf32>
    %dot_general3A = arith.constant dense<0.000000e+00> : vector<2000x128xf32>
    %dot_general3A_13 = tpu.matmul %mul3A_9, %get3A_12, %dot_general3A {dimension_numbers = #tpu.dot_dimension_numbers<[1], [0], [0], [1], [0, 0, 1, 1], [], []>, transpose_lhs_hint = false} : vector<2000x128xf32>, vector<128x128xf32>, vector<2000x128xf32> -> vector<2000x128xf32>
    %get3A_14 = arith.constant 0 : index
    %get3A_15 = arith.constant 0 : index
    %get3A_16 = vector.load %arg5[%get3A_14, %get3A_15] : memref<1x128xf32, #tpu.memory_space<vmem>>, vector<1x128xf32>
    %add3A = vector.broadcast %get3A_16 : vector<1x128xf32> to vector<2000x128xf32>
    %add3A_17 = arith.addf %dot_general3A_13, %add3A : vector<2000x128xf32>
    %max3A = arith.constant 0.000000e+00 : f32
    %max3A_18 = vector.broadcast %max3A : f32 to vector<2000x128xf32>
    %max3A_19 = arith.maximumf %add3A_17, %max3A_18 : vector<2000x128xf32>
    %get3A_20 = arith.constant 0 : index
    %get3A_21 = arith.constant 0 : index
    %get3A_22 = arith.constant 0 : index
    %get3A_23 = vector.load %arg3[%get3A_20, %get3A_21, %get3A_22] : memref<1x2000x1xf32, #tpu.memory_space<vmem>>, vector<1x2000x1xf32>
    %get3A_24 = vector.shape_cast %get3A_23 : vector<1x2000x1xf32> to vector<2000x1xf32>
    %mul3A_25 = vector.broadcast %get3A_24 : vector<2000x1xf32> to vector<2000x128xf32>
    %mul3A_26 = arith.mulf %max3A_19, %mul3A_25 : vector<2000x128xf32>
    %swap3A = arith.constant 0 : index
    %swap3A_27 = arith.constant 0 : index
    %swap3A_28 = arith.constant 0 : index
    %swap3A_29 = vector.load %arg6[%swap3A, %swap3A_27, %swap3A_28] : memref<1x2000x128xf32, #tpu.memory_space<vmem>>, vector<1x2000x128xf32>
    %swap3A_30 = vector.shape_cast %swap3A_29 : vector<1x2000x128xf32> to vector<2000x128xf32>
    %swap3A_31 = vector.shape_cast %mul3A_26 : vector<2000x128xf32> to vector<1x2000x128xf32>
    tpu.vector_store %arg6[%swap3A, %swap3A_27, %swap3A_28], %swap3A_31 {strides = array<i32>} : memref<1x2000x128xf32, #tpu.memory_space<vmem>>, vector<1x2000x128xf32>,
    return
  }
  func.func @transform_0(%arg0: i32) -> (i32, i32, i32) {
    %jit3A = arith.constant 5 : i32
    %div3A = arith.divsi %arg0, %jit3A : i32
    %sign3A = arith.constant 0 : i32
    %sign3A_0 = arith.cmpi sgt, %arg0, %sign3A : i32
    %sign3A_1 = arith.extui %sign3A_0 : i1 to i32
    %sign3A_2 = arith.constant 0 : i32
    %sign3A_3 = arith.cmpi slt, %arg0, %sign3A_2 : i32
    %sign3A_4 = arith.extui %sign3A_3 : i1 to i32
    %sign3A_5 = arith.subi %sign3A_1, %sign3A_4 : i32
    %sign3A_6 = arith.constant 0 : i32
    %sign3A_7 = arith.cmpi sgt, %jit3A, %sign3A_6 : i32
    %sign3A_8 = arith.extui %sign3A_7 : i1 to i32
    %sign3A_9 = arith.constant 0 : i32
    %sign3A_10 = arith.cmpi slt, %jit3A, %sign3A_9 : i32
    %sign3A_11 = arith.extui %sign3A_10 : i1 to i32
    %sign3A_12 = arith.subi %sign3A_8, %sign3A_11 : i32
    %ne3A = arith.cmpi ne, %sign3A_5, %sign3A_12 : i32
    %rem3A = arith.remsi %arg0, %jit3A : i32
    %ne3A_13 = arith.constant 0 : i32
    %ne3A_14 = arith.cmpi ne, %rem3A, %ne3A_13 : i32
    %and3A = arith.andi %ne3A, %ne3A_14 : i1
    %sub3A = arith.constant 1 : i32
    %sub3A_15 = arith.subi %div3A, %sub3A : i32
    %select_n3A = arith.select %and3A, %sub3A_15, %div3A : i32
    %jit3A_16 = arith.constant 5 : i32
    %eq3A = arith.constant 0 : i32
    %eq3A_17 = arith.cmpi eq, %jit3A_16, %eq3A : i32
    %jit3A_18 = arith.constant 1 : i32
    %select_n3A_19 = arith.select %eq3A_17, %jit3A_18, %jit3A_16 : i32
    %rem3A_20 = arith.remsi %arg0, %select_n3A_19 : i32
    %ne3A_21 = arith.constant 0 : i32
    %ne3A_22 = arith.cmpi ne, %rem3A_20, %ne3A_21 : i32
    %lt3A = arith.constant 0 : i32
    %lt3A_23 = arith.cmpi slt, %rem3A_20, %lt3A : i32
    %lt3A_24 = arith.constant 0 : i32
    %lt3A_25 = arith.cmpi slt, %select_n3A_19, %lt3A_24 : i32
    %ne3A_26 = arith.xori %lt3A_23, %lt3A_25 : i1
    %and3A_27 = arith.andi %ne3A_26, %ne3A_22 : i1
    %add3A = arith.addi %rem3A_20, %select_n3A_19 : i32
    %select_n3A_28 = arith.select %and3A_27, %add3A, %rem3A_20 : i32
    %c0_i32 = arith.constant 0 : i32
    %c0_i32_29 = arith.constant 0 : i32
    return %select_n3A, %select_n3A_28, %c0_i32 : i32, i32, i32
  }
  func.func @transform_1(%arg0: i32) -> (i32, i32, i32) {
    %jit3A = arith.constant 5 : i32
    %div3A = arith.divsi %arg0, %jit3A : i32
    %sign3A = arith.constant 0 : i32
    %sign3A_0 = arith.cmpi sgt, %arg0, %sign3A : i32
    %sign3A_1 = arith.extui %sign3A_0 : i1 to i32
    %sign3A_2 = arith.constant 0 : i32
    %sign3A_3 = arith.cmpi slt, %arg0, %sign3A_2 : i32
    %sign3A_4 = arith.extui %sign3A_3 : i1 to i32
    %sign3A_5 = arith.subi %sign3A_1, %sign3A_4 : i32
    %sign3A_6 = arith.constant 0 : i32
    %sign3A_7 = arith.cmpi sgt, %jit3A, %sign3A_6 : i32
    %sign3A_8 = arith.extui %sign3A_7 : i1 to i32
    %sign3A_9 = arith.constant 0 : i32
    %sign3A_10 = arith.cmpi slt, %jit3A, %sign3A_9 : i32
    %sign3A_11 = arith.extui %sign3A_10 : i1 to i32
    %sign3A_12 = arith.subi %sign3A_8, %sign3A_11 : i32
    %ne3A = arith.cmpi ne, %sign3A_5, %sign3A_12 : i32
    %rem3A = arith.remsi %arg0, %jit3A : i32
    %ne3A_13 = arith.constant 0 : i32
    %ne3A_14 = arith.cmpi ne, %rem3A, %ne3A_13 : i32
    %and3A = arith.andi %ne3A, %ne3A_14 : i1
    %sub3A = arith.constant 1 : i32
    %sub3A_15 = arith.subi %div3A, %sub3A : i32
    %select_n3A = arith.select %and3A, %sub3A_15, %div3A : i32
    %jit3A_16 = arith.constant 5 : i32
    %eq3A = arith.constant 0 : i32
    %eq3A_17 = arith.cmpi eq, %jit3A_16, %eq3A : i32
    %jit3A_18 = arith.constant 1 : i32
    %select_n3A_19 = arith.select %eq3A_17, %jit3A_18, %jit3A_16 : i32
    %rem3A_20 = arith.remsi %arg0, %select_n3A_19 : i32
    %ne3A_21 = arith.constant 0 : i32
    %ne3A_22 = arith.cmpi ne, %rem3A_20, %ne3A_21 : i32
    %lt3A = arith.constant 0 : i32
    %lt3A_23 = arith.cmpi slt, %rem3A_20, %lt3A : i32
    %lt3A_24 = arith.constant 0 : i32
    %lt3A_25 = arith.cmpi slt, %select_n3A_19, %lt3A_24 : i32
    %ne3A_26 = arith.xori %lt3A_23, %lt3A_25 : i1
    %and3A_27 = arith.andi %ne3A_26, %ne3A_22 : i1
    %add3A = arith.addi %rem3A_20, %select_n3A_19 : i32
    %select_n3A_28 = arith.select %and3A_27, %add3A, %rem3A_20 : i32
    %c0_i32 = arith.constant 0 : i32
    %c0_i32_29 = arith.constant 0 : i32
    return %select_n3A, %select_n3A_28, %c0_i32 : i32, i32, i32
  }
  func.func @transform_2(%arg0: i32) -> (i32, i32, i32) {
    %jit3A = arith.constant 5 : i32
    %div3A = arith.divsi %arg0, %jit3A : i32
    %sign3A = arith.constant 0 : i32
    %sign3A_0 = arith.cmpi sgt, %arg0, %sign3A : i32
    %sign3A_1 = arith.extui %sign3A_0 : i1 to i32
    %sign3A_2 = arith.constant 0 : i32
    %sign3A_3 = arith.cmpi slt, %arg0, %sign3A_2 : i32
    %sign3A_4 = arith.extui %sign3A_3 : i1 to i32
    %sign3A_5 = arith.subi %sign3A_1, %sign3A_4 : i32
    %sign3A_6 = arith.constant 0 : i32
    %sign3A_7 = arith.cmpi sgt, %jit3A, %sign3A_6 : i32
    %sign3A_8 = arith.extui %sign3A_7 : i1 to i32
    %sign3A_9 = arith.constant 0 : i32
    %sign3A_10 = arith.cmpi slt, %jit3A, %sign3A_9 : i32
    %sign3A_11 = arith.extui %sign3A_10 : i1 to i32
    %sign3A_12 = arith.subi %sign3A_8, %sign3A_11 : i32
    %ne3A = arith.cmpi ne, %sign3A_5, %sign3A_12 : i32
    %rem3A = arith.remsi %arg0, %jit3A : i32
    %ne3A_13 = arith.constant 0 : i32
    %ne3A_14 = arith.cmpi ne, %rem3A, %ne3A_13 : i32
    %and3A = arith.andi %ne3A, %ne3A_14 : i1
    %sub3A = arith.constant 1 : i32
    %sub3A_15 = arith.subi %div3A, %sub3A : i32
    %select_n3A = arith.select %and3A, %sub3A_15, %div3A : i32
    %jit3A_16 = arith.constant 5 : i32
    %eq3A = arith.constant 0 : i32
    %eq3A_17 = arith.cmpi eq, %jit3A_16, %eq3A : i32
    %jit3A_18 = arith.constant 1 : i32
    %select_n3A_19 = arith.select %eq3A_17, %jit3A_18, %jit3A_16 : i32
    %rem3A_20 = arith.remsi %arg0, %select_n3A_19 : i32
    %ne3A_21 = arith.constant 0 : i32
    %ne3A_22 = arith.cmpi ne, %rem3A_20, %ne3A_21 : i32
    %lt3A = arith.constant 0 : i32
    %lt3A_23 = arith.cmpi slt, %rem3A_20, %lt3A : i32
    %lt3A_24 = arith.constant 0 : i32
    %lt3A_25 = arith.cmpi slt, %select_n3A_19, %lt3A_24 : i32
    %ne3A_26 = arith.xori %lt3A_23, %lt3A_25 : i1
    %and3A_27 = arith.andi %ne3A_26, %ne3A_22 : i1
    %add3A = arith.addi %rem3A_20, %select_n3A_19 : i32
    %select_n3A_28 = arith.select %and3A_27, %add3A, %rem3A_20 : i32
    %c0_i32 = arith.constant 0 : i32
    %c0_i32_29 = arith.constant 0 : i32
    return %select_n3A, %select_n3A_28, %c0_i32 : i32, i32, i32
  }
  func.func @transform_3(%arg0: i32) -> (i32, i32) {
    %c0_i32 = arith.constant 0 : i32
    %c0_i32_0 = arith.constant 0 : i32
    %c0_i32_1 = arith.constant 0 : i32
    return %c0_i32, %c0_i32_0 : i32, i32
  }
  func.func @transform_4(%arg0: i32) -> (i32, i32) {
    %c0_i32 = arith.constant 0 : i32
    %c0_i32_0 = arith.constant 0 : i32
    %c0_i32_1 = arith.constant 0 : i32
    return %c0_i32, %c0_i32_0 : i32, i32
  }
  func.func @transform_5(%arg0: i32) -> (i32, i32, i32) {
    %jit3A = arith.constant 5 : i32
    %div3A = arith.divsi %arg0, %jit3A : i32
    %sign3A = arith.constant 0 : i32
    %sign3A_0 = arith.cmpi sgt, %arg0, %sign3A : i32
    %sign3A_1 = arith.extui %sign3A_0 : i1 to i32
    %sign3A_2 = arith.constant 0 : i32
    %sign3A_3 = arith.cmpi slt, %arg0, %sign3A_2 : i32
    %sign3A_4 = arith.extui %sign3A_3 : i1 to i32
    %sign3A_5 = arith.subi %sign3A_1, %sign3A_4 : i32
    %sign3A_6 = arith.constant 0 : i32
    %sign3A_7 = arith.cmpi sgt, %jit3A, %sign3A_6 : i32
    %sign3A_8 = arith.extui %sign3A_7 : i1 to i32
    %sign3A_9 = arith.constant 0 : i32
    %sign3A_10 = arith.cmpi slt, %jit3A, %sign3A_9 : i32
    %sign3A_11 = arith.extui %sign3A_10 : i1 to i32
    %sign3A_12 = arith.subi %sign3A_8, %sign3A_11 : i32
    %ne3A = arith.cmpi ne, %sign3A_5, %sign3A_12 : i32
    %rem3A = arith.remsi %arg0, %jit3A : i32
    %ne3A_13 = arith.constant 0 : i32
    %ne3A_14 = arith.cmpi ne, %rem3A, %ne3A_13 : i32
    %and3A = arith.andi %ne3A, %ne3A_14 : i1
    %sub3A = arith.constant 1 : i32
    %sub3A_15 = arith.subi %div3A, %sub3A : i32
    %select_n3A = arith.select %and3A, %sub3A_15, %div3A : i32
    %jit3A_16 = arith.constant 5 : i32
    %eq3A = arith.constant 0 : i32
    %eq3A_17 = arith.cmpi eq, %jit3A_16, %eq3A : i32
    %jit3A_18 = arith.constant 1 : i32
    %select_n3A_19 = arith.select %eq3A_17, %jit3A_18, %jit3A_16 : i32
    %rem3A_20 = arith.remsi %arg0, %select_n3A_19 : i32
    %ne3A_21 = arith.constant 0 : i32
    %ne3A_22 = arith.cmpi ne, %rem3A_20, %ne3A_21 : i32
    %lt3A = arith.constant 0 : i32
    %lt3A_23 = arith.cmpi slt, %rem3A_20, %lt3A : i32
    %lt3A_24 = arith.constant 0 : i32
    %lt3A_25 = arith.cmpi slt, %select_n3A_19, %lt3A_24 : i32
    %ne3A_26 = arith.xori %lt3A_23, %lt3A_25 : i1
    %and3A_27 = arith.andi %ne3A_26, %ne3A_22 : i1
    %add3A = arith.addi %rem3A_20, %select_n3A_19 : i32
    %select_n3A_28 = arith.select %and3A_27, %add3A, %rem3A_20 : i32
    %c0_i32 = arith.constant 0 : i32
    %c0_i32_29 = arith.constant 0 : i32
    return %select_n3A, %select_n3A_28, %c0_i32 : i32, i32, i32
  }
}

module attributes {stable_mosaic.version = 14 : i64} {
  func.func @_head_body(%arg0: i32, %arg1: memref<1x2000x128xf32, #tpu.memory_space<vmem>>, %arg2: memref<1x2000x1xf32, #tpu.memory_space<vmem>>, %arg3: memref<128x128xf32, #tpu.memory_space<vmem>>, %arg4: memref<1x128xf32, #tpu.memory_space<vmem>>, %arg5: memref<128x128xf32, #tpu.memory_space<vmem>>, %arg6: memref<1x128xf32, #tpu.memory_space<vmem>>, %arg7: memref<128x128xf32, #tpu.memory_space<vmem>>, %arg8: memref<1x128xf32, #tpu.memory_space<vmem>>, %arg9: memref<2000x128xf32, #tpu.memory_space<vmem>>, %arg10: memref<2000x128xf32, #tpu.memory_space<vmem>>) attributes {dimension_semantics = [#tpu.dimension_semantics<arbitrary>], iteration_bounds = array<i64: 5>, scalar_prefetch = 0 : i64, scratch_operands = 0 : i64, tpu.core_type = #tpu.core_type<tc>, window_params = [{transform_indices = @transform_0, window_bounds = array<i64: 1, 2000, 128>}, {transform_indices = @transform_1, window_bounds = array<i64: 1, 2000, 1>}, {pipeline_mode = #tpu.pipeline_mode<synchronous>, transform_indices = @transform_2, window_bounds = array<i64: 128, 128>}, {pipeline_mode = #tpu.pipeline_mode<synchronous>, transform_indices = @transform_3, window_bounds = array<i64: 1, 128>}, {pipeline_mode = #tpu.pipeline_mode<synchronous>, transform_indices = @transform_4, window_bounds = array<i64: 128, 128>}, {pipeline_mode = #tpu.pipeline_mode<synchronous>, transform_indices = @transform_5, window_bounds = array<i64: 1, 128>}, {pipeline_mode = #tpu.pipeline_mode<synchronous>, transform_indices = @transform_6, window_bounds = array<i64: 128, 128>}, {pipeline_mode = #tpu.pipeline_mode<synchronous>, transform_indices = @transform_7, window_bounds = array<i64: 1, 128>}, {transform_indices = @transform_8, window_bounds = array<i64: 2000, 128>}, {transform_indices = @transform_9, window_bounds = array<i64: 2000, 128>}]} {
    %get3A = arith.constant 0 : index
    %get3A_0 = arith.constant 0 : index
    %get3A_1 = arith.constant 0 : index
    %get3A_2 = vector.load %arg1[%get3A, %get3A_0, %get3A_1] : memref<1x2000x128xf32, #tpu.memory_space<vmem>>, vector<1x2000x128xf32>
    %get3A_3 = vector.shape_cast %get3A_2 : vector<1x2000x128xf32> to vector<2000x128xf32>
    %get3A_4 = arith.constant 0 : index
    %get3A_5 = arith.constant 0 : index
    %get3A_6 = arith.constant 0 : index
    %get3A_7 = vector.load %arg2[%get3A_4, %get3A_5, %get3A_6] : memref<1x2000x1xf32, #tpu.memory_space<vmem>>, vector<1x2000x1xf32>
    %get3A_8 = vector.shape_cast %get3A_7 : vector<1x2000x1xf32> to vector<2000x1xf32>
    %mul3A = vector.broadcast %get3A_8 : vector<2000x1xf32> to vector<2000x128xf32>
    %mul3A_9 = arith.mulf %get3A_3, %mul3A : vector<2000x128xf32>
    %get3A_10 = arith.constant 0 : index
    %get3A_11 = arith.constant 0 : index
    %get3A_12 = vector.load %arg3[%get3A_10, %get3A_11] : memref<128x128xf32, #tpu.memory_space<vmem>>, vector<128x128xf32>
    %dot_general3A = arith.constant dense<0.000000e+00> : vector<2000x128xf32>
    %dot_general3A_13 = tpu.matmul %mul3A_9, %get3A_12, %dot_general3A {dimension_numbers = #tpu.dot_dimension_numbers<[1], [0], [0], [1], [0, 0, 1, 1], [], []>, transpose_lhs_hint = false} : vector<2000x128xf32>, vector<128x128xf32>, vector<2000x128xf32> -> vector<2000x128xf32>
    %get3A_14 = arith.constant 0 : index
    %get3A_15 = arith.constant 0 : index
    %get3A_16 = vector.load %arg4[%get3A_14, %get3A_15] : memref<1x128xf32, #tpu.memory_space<vmem>>, vector<1x128xf32>
    %add3A = vector.broadcast %get3A_16 : vector<1x128xf32> to vector<2000x128xf32>
    %add3A_17 = arith.addf %dot_general3A_13, %add3A : vector<2000x128xf32>
    %max3A = arith.constant 0.000000e+00 : f32
    %max3A_18 = vector.broadcast %max3A : f32 to vector<2000x128xf32>
    %max3A_19 = arith.maximumf %add3A_17, %max3A_18 : vector<2000x128xf32>
    %swap3A = arith.constant 0 : index
    %swap3A_20 = arith.constant 0 : index
    %swap3A_21 = vector.load %arg9[%swap3A, %swap3A_20] : memref<2000x128xf32, #tpu.memory_space<vmem>>, vector<2000x128xf32>
    tpu.vector_store %arg9[%swap3A, %swap3A_20], %max3A_19 {strides = array<i32>} : memref<2000x128xf32, #tpu.memory_space<vmem>>, vector<2000x128xf32>,
    %get3A_22 = arith.constant 0 : index
    %get3A_23 = arith.constant 0 : index
    %get3A_24 = vector.load %arg5[%get3A_22, %get3A_23] : memref<128x128xf32, #tpu.memory_space<vmem>>, vector<128x128xf32>
    %dot_general3A_25 = arith.constant dense<0.000000e+00> : vector<2000x128xf32>
    %dot_general3A_26 = tpu.matmul %max3A_19, %get3A_24, %dot_general3A_25 {dimension_numbers = #tpu.dot_dimension_numbers<[1], [0], [0], [1], [0, 0, 1, 1], [], []>, transpose_lhs_hint = false} : vector<2000x128xf32>, vector<128x128xf32>, vector<2000x128xf32> -> vector<2000x128xf32>
    %get3A_27 = arith.constant 0 : index
    %get3A_28 = arith.constant 0 : index
    %get3A_29 = vector.load %arg6[%get3A_27, %get3A_28] : memref<1x128xf32, #tpu.memory_space<vmem>>, vector<1x128xf32>
    %add3A_30 = vector.broadcast %get3A_29 : vector<1x128xf32> to vector<2000x128xf32>
    %add3A_31 = arith.addf %dot_general3A_26, %add3A_30 : vector<2000x128xf32>
    %max3A_32 = arith.constant 0.000000e+00 : f32
    %max3A_33 = vector.broadcast %max3A_32 : f32 to vector<2000x128xf32>
    %max3A_34 = arith.maximumf %add3A_31, %max3A_33 : vector<2000x128xf32>
    %get3A_35 = arith.constant 0 : index
    %get3A_36 = arith.constant 0 : index
    %get3A_37 = vector.load %arg7[%get3A_35, %get3A_36] : memref<128x128xf32, #tpu.memory_space<vmem>>, vector<128x128xf32>
    %dot_general3A_38 = arith.constant dense<0.000000e+00> : vector<2000x128xf32>
    %dot_general3A_39 = tpu.matmul %max3A_34, %get3A_37, %dot_general3A_38 {dimension_numbers = #tpu.dot_dimension_numbers<[1], [0], [0], [1], [0, 0, 1, 1], [], []>, transpose_lhs_hint = false} : vector<2000x128xf32>, vector<128x128xf32>, vector<2000x128xf32> -> vector<2000x128xf32>
    %get3A_40 = arith.constant 0 : index
    %get3A_41 = arith.constant 0 : index
    %get3A_42 = vector.load %arg8[%get3A_40, %get3A_41] : memref<1x128xf32, #tpu.memory_space<vmem>>, vector<1x128xf32>
    %add3A_43 = vector.broadcast %get3A_42 : vector<1x128xf32> to vector<2000x128xf32>
    %add3A_44 = arith.addf %dot_general3A_39, %add3A_43 : vector<2000x128xf32>
    %max3A_45 = arith.constant 0.000000e+00 : f32
    %max3A_46 = vector.broadcast %max3A_45 : f32 to vector<2000x128xf32>
    %max3A_47 = arith.maximumf %add3A_44, %max3A_46 : vector<2000x128xf32>
    %swap3A_48 = arith.constant 0 : index
    %swap3A_49 = arith.constant 0 : index
    %swap3A_50 = vector.load %arg10[%swap3A_48, %swap3A_49] : memref<2000x128xf32, #tpu.memory_space<vmem>>, vector<2000x128xf32>
    tpu.vector_store %arg10[%swap3A_48, %swap3A_49], %max3A_47 {strides = array<i32>} : memref<2000x128xf32, #tpu.memory_space<vmem>>, vector<2000x128xf32>,
    return
  }
  func.func @transform_0(%arg0: i32) -> (i32, i32, i32) {
    %c1_i32 = arith.constant 1 : i32
    %c0_i32 = arith.constant 0 : i32
    %c0_i32_0 = arith.constant 0 : i32
    return %c1_i32, %arg0, %c0_i32 : i32, i32, i32
  }
  func.func @transform_1(%arg0: i32) -> (i32, i32, i32) {
    %c1_i32 = arith.constant 1 : i32
    %c0_i32 = arith.constant 0 : i32
    %c0_i32_0 = arith.constant 0 : i32
    return %c1_i32, %arg0, %c0_i32 : i32, i32, i32
  }
  func.func @transform_2(%arg0: i32) -> (i32, i32) {
    %c0_i32 = arith.constant 0 : i32
    %c0_i32_0 = arith.constant 0 : i32
    %c0_i32_1 = arith.constant 0 : i32
    return %c0_i32, %c0_i32_0 : i32, i32
  }
  func.func @transform_3(%arg0: i32) -> (i32, i32) {
    %c0_i32 = arith.constant 0 : i32
    %c0_i32_0 = arith.constant 0 : i32
    %c0_i32_1 = arith.constant 0 : i32
    return %c0_i32, %c0_i32_0 : i32, i32
  }
  func.func @transform_4(%arg0: i32) -> (i32, i32) {
    %c0_i32 = arith.constant 0 : i32
    %c0_i32_0 = arith.constant 0 : i32
    %c0_i32_1 = arith.constant 0 : i32
    return %c0_i32, %c0_i32_0 : i32, i32
  }
  func.func @transform_5(%arg0: i32) -> (i32, i32) {
    %c0_i32 = arith.constant 0 : i32
    %c0_i32_0 = arith.constant 0 : i32
    %c0_i32_1 = arith.constant 0 : i32
    return %c0_i32, %c0_i32_0 : i32, i32
  }
  func.func @transform_6(%arg0: i32) -> (i32, i32) {
    %c0_i32 = arith.constant 0 : i32
    %c0_i32_0 = arith.constant 0 : i32
    %c0_i32_1 = arith.constant 0 : i32
    return %c0_i32, %c0_i32_0 : i32, i32
  }
  func.func @transform_7(%arg0: i32) -> (i32, i32) {
    %c0_i32 = arith.constant 0 : i32
    %c0_i32_0 = arith.constant 0 : i32
    %c0_i32_1 = arith.constant 0 : i32
    return %c0_i32, %c0_i32_0 : i32, i32
  }
  func.func @transform_8(%arg0: i32) -> (i32, i32) {
    %c0_i32 = arith.constant 0 : i32
    %c0_i32_0 = arith.constant 0 : i32
    return %arg0, %c0_i32 : i32, i32
  }
  func.func @transform_9(%arg0: i32) -> (i32, i32) {
    %c0_i32 = arith.constant 0 : i32
    %c0_i32_0 = arith.constant 0 : i32
    return %arg0, %c0_i32 : i32, i32
  }
}

module attributes {stable_mosaic.version = 14 : i64} {
  func.func @_head_body(%arg0: i32, %arg1: memref<1x2000x128xf32, #tpu.memory_space<vmem>>, %arg2: memref<1x2000x1xf32, #tpu.memory_space<vmem>>, %arg3: memref<128x128xf32, #tpu.memory_space<vmem>>, %arg4: memref<1x128xf32, #tpu.memory_space<vmem>>, %arg5: memref<128x128xf32, #tpu.memory_space<vmem>>, %arg6: memref<1x128xf32, #tpu.memory_space<vmem>>, %arg7: memref<128x128xf32, #tpu.memory_space<vmem>>, %arg8: memref<1x128xf32, #tpu.memory_space<vmem>>, %arg9: memref<2000x128xf32, #tpu.memory_space<vmem>>, %arg10: memref<2000x128xf32, #tpu.memory_space<vmem>>) attributes {dimension_semantics = [#tpu.dimension_semantics<arbitrary>], iteration_bounds = array<i64: 5>, scalar_prefetch = 0 : i64, scratch_operands = 0 : i64, tpu.core_type = #tpu.core_type<tc>, window_params = [{transform_indices = @transform_0, window_bounds = array<i64: 1, 2000, 128>}, {transform_indices = @transform_1, window_bounds = array<i64: 1, 2000, 1>}, {pipeline_mode = #tpu.pipeline_mode<synchronous>, transform_indices = @transform_2, window_bounds = array<i64: 128, 128>}, {pipeline_mode = #tpu.pipeline_mode<synchronous>, transform_indices = @transform_3, window_bounds = array<i64: 1, 128>}, {pipeline_mode = #tpu.pipeline_mode<synchronous>, transform_indices = @transform_4, window_bounds = array<i64: 128, 128>}, {pipeline_mode = #tpu.pipeline_mode<synchronous>, transform_indices = @transform_5, window_bounds = array<i64: 1, 128>}, {pipeline_mode = #tpu.pipeline_mode<synchronous>, transform_indices = @transform_6, window_bounds = array<i64: 128, 128>}, {pipeline_mode = #tpu.pipeline_mode<synchronous>, transform_indices = @transform_7, window_bounds = array<i64: 1, 128>}, {transform_indices = @transform_8, window_bounds = array<i64: 2000, 128>}, {transform_indices = @transform_9, window_bounds = array<i64: 2000, 128>}]} {
    %get3A = arith.constant 0 : index
    %get3A_0 = arith.constant 0 : index
    %get3A_1 = arith.constant 0 : index
    %get3A_2 = vector.load %arg1[%get3A, %get3A_0, %get3A_1] : memref<1x2000x128xf32, #tpu.memory_space<vmem>>, vector<1x2000x128xf32>
    %get3A_3 = vector.shape_cast %get3A_2 : vector<1x2000x128xf32> to vector<2000x128xf32>
    %get3A_4 = arith.constant 0 : index
    %get3A_5 = arith.constant 0 : index
    %get3A_6 = arith.constant 0 : index
    %get3A_7 = vector.load %arg2[%get3A_4, %get3A_5, %get3A_6] : memref<1x2000x1xf32, #tpu.memory_space<vmem>>, vector<1x2000x1xf32>
    %get3A_8 = vector.shape_cast %get3A_7 : vector<1x2000x1xf32> to vector<2000x1xf32>
    %mul3A = vector.broadcast %get3A_8 : vector<2000x1xf32> to vector<2000x128xf32>
    %mul3A_9 = arith.mulf %get3A_3, %mul3A : vector<2000x128xf32>
    %get3A_10 = arith.constant 0 : index
    %get3A_11 = arith.constant 0 : index
    %get3A_12 = vector.load %arg3[%get3A_10, %get3A_11] : memref<128x128xf32, #tpu.memory_space<vmem>>, vector<128x128xf32>
    %dot_general3A = arith.constant dense<0.000000e+00> : vector<2000x128xf32>
    %dot_general3A_13 = tpu.matmul %mul3A_9, %get3A_12, %dot_general3A {dimension_numbers = #tpu.dot_dimension_numbers<[1], [0], [0], [1], [0, 0, 1, 1], [], []>, transpose_lhs_hint = false} : vector<2000x128xf32>, vector<128x128xf32>, vector<2000x128xf32> -> vector<2000x128xf32>
    %get3A_14 = arith.constant 0 : index
    %get3A_15 = arith.constant 0 : index
    %get3A_16 = vector.load %arg4[%get3A_14, %get3A_15] : memref<1x128xf32, #tpu.memory_space<vmem>>, vector<1x128xf32>
    %add3A = vector.broadcast %get3A_16 : vector<1x128xf32> to vector<2000x128xf32>
    %add3A_17 = arith.addf %dot_general3A_13, %add3A : vector<2000x128xf32>
    %max3A = arith.constant 0.000000e+00 : f32
    %max3A_18 = vector.broadcast %max3A : f32 to vector<2000x128xf32>
    %max3A_19 = arith.maximumf %add3A_17, %max3A_18 : vector<2000x128xf32>
    %swap3A = arith.constant 0 : index
    %swap3A_20 = arith.constant 0 : index
    %swap3A_21 = vector.load %arg9[%swap3A, %swap3A_20] : memref<2000x128xf32, #tpu.memory_space<vmem>>, vector<2000x128xf32>
    tpu.vector_store %arg9[%swap3A, %swap3A_20], %max3A_19 {strides = array<i32>} : memref<2000x128xf32, #tpu.memory_space<vmem>>, vector<2000x128xf32>,
    %get3A_22 = arith.constant 0 : index
    %get3A_23 = arith.constant 0 : index
    %get3A_24 = vector.load %arg5[%get3A_22, %get3A_23] : memref<128x128xf32, #tpu.memory_space<vmem>>, vector<128x128xf32>
    %dot_general3A_25 = arith.constant dense<0.000000e+00> : vector<2000x128xf32>
    %dot_general3A_26 = tpu.matmul %max3A_19, %get3A_24, %dot_general3A_25 {dimension_numbers = #tpu.dot_dimension_numbers<[1], [0], [0], [1], [0, 0, 1, 1], [], []>, transpose_lhs_hint = false} : vector<2000x128xf32>, vector<128x128xf32>, vector<2000x128xf32> -> vector<2000x128xf32>
    %get3A_27 = arith.constant 0 : index
    %get3A_28 = arith.constant 0 : index
    %get3A_29 = vector.load %arg6[%get3A_27, %get3A_28] : memref<1x128xf32, #tpu.memory_space<vmem>>, vector<1x128xf32>
    %add3A_30 = vector.broadcast %get3A_29 : vector<1x128xf32> to vector<2000x128xf32>
    %add3A_31 = arith.addf %dot_general3A_26, %add3A_30 : vector<2000x128xf32>
    %max3A_32 = arith.constant 0.000000e+00 : f32
    %max3A_33 = vector.broadcast %max3A_32 : f32 to vector<2000x128xf32>
    %max3A_34 = arith.maximumf %add3A_31, %max3A_33 : vector<2000x128xf32>
    %get3A_35 = arith.constant 0 : index
    %get3A_36 = arith.constant 0 : index
    %get3A_37 = vector.load %arg7[%get3A_35, %get3A_36] : memref<128x128xf32, #tpu.memory_space<vmem>>, vector<128x128xf32>
    %dot_general3A_38 = arith.constant dense<0.000000e+00> : vector<2000x128xf32>
    %dot_general3A_39 = tpu.matmul %max3A_34, %get3A_37, %dot_general3A_38 {dimension_numbers = #tpu.dot_dimension_numbers<[1], [0], [0], [1], [0, 0, 1, 1], [], []>, transpose_lhs_hint = false} : vector<2000x128xf32>, vector<128x128xf32>, vector<2000x128xf32> -> vector<2000x128xf32>
    %get3A_40 = arith.constant 0 : index
    %get3A_41 = arith.constant 0 : index
    %get3A_42 = vector.load %arg8[%get3A_40, %get3A_41] : memref<1x128xf32, #tpu.memory_space<vmem>>, vector<1x128xf32>
    %add3A_43 = vector.broadcast %get3A_42 : vector<1x128xf32> to vector<2000x128xf32>
    %add3A_44 = arith.addf %dot_general3A_39, %add3A_43 : vector<2000x128xf32>
    %max3A_45 = arith.constant 0.000000e+00 : f32
    %max3A_46 = vector.broadcast %max3A_45 : f32 to vector<2000x128xf32>
    %max3A_47 = arith.maximumf %add3A_44, %max3A_46 : vector<2000x128xf32>
    %swap3A_48 = arith.constant 0 : index
    %swap3A_49 = arith.constant 0 : index
    %swap3A_50 = vector.load %arg10[%swap3A_48, %swap3A_49] : memref<2000x128xf32, #tpu.memory_space<vmem>>, vector<2000x128xf32>
    tpu.vector_store %arg10[%swap3A_48, %swap3A_49], %max3A_47 {strides = array<i32>} : memref<2000x128xf32, #tpu.memory_space<vmem>>, vector<2000x128xf32>,
    return
  }
  func.func @transform_0(%arg0: i32) -> (i32, i32, i32) {
    %c0_i32 = arith.constant 0 : i32
    %c0_i32_0 = arith.constant 0 : i32
    %c0_i32_1 = arith.constant 0 : i32
    return %c0_i32, %arg0, %c0_i32_0 : i32, i32, i32
  }
  func.func @transform_1(%arg0: i32) -> (i32, i32, i32) {
    %c0_i32 = arith.constant 0 : i32
    %c0_i32_0 = arith.constant 0 : i32
    %c0_i32_1 = arith.constant 0 : i32
    return %c0_i32, %arg0, %c0_i32_0 : i32, i32, i32
  }
  func.func @transform_2(%arg0: i32) -> (i32, i32) {
    %c0_i32 = arith.constant 0 : i32
    %c0_i32_0 = arith.constant 0 : i32
    %c0_i32_1 = arith.constant 0 : i32
    return %c0_i32, %c0_i32_0 : i32, i32
  }
  func.func @transform_3(%arg0: i32) -> (i32, i32) {
    %c0_i32 = arith.constant 0 : i32
    %c0_i32_0 = arith.constant 0 : i32
    %c0_i32_1 = arith.constant 0 : i32
    return %c0_i32, %c0_i32_0 : i32, i32
  }
  func.func @transform_4(%arg0: i32) -> (i32, i32) {
    %c0_i32 = arith.constant 0 : i32
    %c0_i32_0 = arith.constant 0 : i32
    %c0_i32_1 = arith.constant 0 : i32
    return %c0_i32, %c0_i32_0 : i32, i32
  }
  func.func @transform_5(%arg0: i32) -> (i32, i32) {
    %c0_i32 = arith.constant 0 : i32
    %c0_i32_0 = arith.constant 0 : i32
    %c0_i32_1 = arith.constant 0 : i32
    return %c0_i32, %c0_i32_0 : i32, i32
  }
  func.func @transform_6(%arg0: i32) -> (i32, i32) {
    %c0_i32 = arith.constant 0 : i32
    %c0_i32_0 = arith.constant 0 : i32
    %c0_i32_1 = arith.constant 0 : i32
    return %c0_i32, %c0_i32_0 : i32, i32
  }
  func.func @transform_7(%arg0: i32) -> (i32, i32) {
    %c0_i32 = arith.constant 0 : i32
    %c0_i32_0 = arith.constant 0 : i32
    %c0_i32_1 = arith.constant 0 : i32
    return %c0_i32, %c0_i32_0 : i32, i32
  }
  func.func @transform_8(%arg0: i32) -> (i32, i32) {
    %c0_i32 = arith.constant 0 : i32
    %c0_i32_0 = arith.constant 0 : i32
    return %arg0, %c0_i32 : i32, i32
  }
  func.func @transform_9(%arg0: i32) -> (i32, i32) {
    %c0_i32 = arith.constant 0 : i32
    %c0_i32_0 = arith.constant 0 : i32
    return %arg0, %c0_i32 : i32, i32
  }
}

</mosaic_0001>

<sc_bundles>
// kernel: kernel.12.cloned.1.call-start
scs
__scs_entry_jumppad:
0x0: {  	(pc) =	sbr.rel $0x88, $3  }
0x1: {  	(tag) =	ssettag $0x0;
	lr =	simm.s32 $0x1  }
0x2: {  	[smem:$0x3F95] =	sst lr;
	_ =	strace $0xD0000000  }
0x3: {  	_ = 	snop  }
0x4: {  	_ = 	snop  }
0x5: {  	_ = 	snop  }
0x6: {  	_ = 	snop  }
0x7: {  	_ = 	snop  }
__scs_overlays_trampoline_lowered:
0x8: {  	[smem:$0x3FA4] =	sst s0  }
0x9: {  	[smem:$0x3FA5] =	sst s1  }
0xa: {  	[smem:$0x3FA6] =	sst s2  }
0xb: {  	[smem:$0x3FA7] =	sst s3  }
0xc: {  	[smem:$0x3FA8] =	sst s4  }
0xd: {  	[smem:$0x3FA9] =	sst s5  }
0xe: {  	[smem:$0x3FAA] =	sst s6  }
0xf: {  	[smem:$0x3FAB] =	sst s7  }
0x10: {  	[smem:$0x3FAC] =	sst s8  }
0x11: {  	[smem:$0x3FAD] =	sst s9;
	s0 =	simm.s32 @!p0 $0x0  }
0x12: {  	s1 =	sld [smem:$0x3F93];
	s0 =	simm.s32 @p0 $0x1  }
0x13: {  	[smem:$0x3FAE] =	sst s0;
	s0 =	simm.s32 @!p1 $0x0  }
0x14: {  	s2 =	sld [smem:$0x3F92];
	s0 =	simm.s32 @p1 $0x1  }
0x15: {  	[smem:$0x3FAF] =	sst s0;
	s0 =	simm.s32 @!p2 $0x0  }
0x16: {  	s3 =	sld [smem:$0x3FDB];
	s0 =	simm.s32 @p2 $0x1  }
0x17: {  	s4 =	simm.s32 $0x1BF5;
	[smem:$0x3FB1] =	sst s0  }
0x18: {  	s0 =	sld [smem:$0x3F94];
	_ =	swait.ge [sflag:s4], $0x0  }
0x19: {  	s7 =	sld [smem:$0x3F95]  }
0x1a: {  	s8 =	sadd.s32 $0xFFFFE003, lr  }
0x1b: {  	s9 =	sadd.s32 $0xFFFFFEF7, lr;
	s5 =	simm.s32 $0xFFFFFFFF;
	p2 =	slt.u32 s8, $0xFFFFF086  }
0x1c: {  	p1 =	slt.u32 s9, $0xF7A;
	s5 =	simm.s32 @!p2 $0x0  }
0x1d: {  	s5 =	simm.s32 @p1 $0x1;
	p0 =	seq.s32 s7, s2  }
0x1e: {  	s7 =	smul.u32 @!p0 $0xF7A, s2;
	p2 =	seq.s32 @!p0 s5, $0x0  }
0x1f: {  	s9 =	smul.u32 $0xF7A, s1;
	s8 =	simm.s32 @!p0 $0x1BF5;
	p2 =	por !p2, p0  }
0x20: {  	[sflag:s8] =	ssyncset.s32 @!p0 $0xFFFFF086;
	s6 =	sadd.s32 @!p0 s3, s7;
	s7 =	simm.s32 @!p0 $0x108  }
0x21: {  	s3 =	sadd.s32 s3, s9;
	s6 =	sadd.s32 @!p0 $0x88, s6;
	s7 =	simm.s32 @p2 $0x1082  }
0x22: {  	[simem:s7], [sflag:s8] =	dma.local @!p0 [hbm:s6], $0xF7A  }
0x23: {  	s9 =	sor.u32 $0xD0000000, s2;
	s6 =	simm.s32 $0x108;
	_ =	swait.ge @!p0 [sflag:s8], $0x0  }
0x24: {  	s3 =	sadd.s32 $0x88, s3;
	s6 =	simm.s32 @!p1 $0x1082;
	[sflag:s4] =	ssyncset.s32 $0xFFFFF086  }
0x25: {  	[simem:s6], [sflag:s4] =	dma.local [hbm:s3], $0xF7A  }
0x26: {  	[smem:$0x3F95] =	sst s1;
	(tag) =	ssettag s2;
	_ =	strace s9  }
0x27: {  	s1 =	sld [smem:$0x3FA5]  }
0x28: {  	s2 =	sld [smem:$0x3FA6]  }
0x29: {  	s4 =	sld [smem:$0x3FA8]  }
0x2a: {  	p0 =	seq.s32 s5, $0x0;
	s5 =	sld [smem:$0x3FA9]  }
0x2b: {  	s6 =	sld [smem:$0x3FAA]  }
0x2c: {  	s7 =	sld [smem:$0x3FAB]  }
0x2d: {  	s3 =	simm.s32 $0x108;
	s8 =	sld [smem:$0x3FAC]  }
0x2e: {  	s3 =	simm.s32 @!p0 $0x1082;
	s9 =	sld [smem:$0x3FAD]  }
0x2f: {  	lr =	sadd.s32 s0, s3;
	s0 =	sld [smem:$0x3FA4]  }
0x30: {  	s3 =	sld [smem:$0x3FA7]  }
0x31: {  	[smem:$0x3FB0] =	sst s10  }
0x32: {  	s10 =	sld [smem:$0x3FAE];
	_ =	sdelay $0x3  }
0x33: {  	p0 =	seq.s32 s10, $0x1;
	s10 =	sld [smem:$0x3FB0];
	_ =	sdelay $0x3  }
0x34: {  	[smem:$0x3FB0] =	sst s10  }
0x35: {  	s10 =	sld [smem:$0x3FAF];
	_ =	sdelay $0x3  }
0x36: {  	p1 =	seq.s32 s10, $0x1;
	s10 =	sld [smem:$0x3FB0];
	_ =	sdelay $0x3  }
0x37: {  	[smem:$0x3FB0] =	sst s10  }
0x38: {  	s10 =	sld [smem:$0x3FB1]  }
0x39: {  	_ = 	snop;
	(pc) =	sbr.ind lr, $3  }
0x3a: {  	_ = 	snop  }
0x3b: {  	_ = 	snop  }
0x3c: {  	p2 =	seq.s32 s10, $0x1;
	s10 =	sld [smem:$0x3FB0]  }
0x3d: {  	_ =	shalt  }
0x3e: {  	_ =	shalt  }
0x3f: {  	_ =	shalt  }
0x40: {  	_ =	shalt  }
0x41: {  	_ =	shalt  }
0x42: {  	_ =	shalt  }
0x43: {  	_ =	shalt  }
0x44: {  	_ =	shalt  }
0x45: {  	_ =	shalt  }
0x46: {  	_ =	shalt  }
0x47: {  	_ =	shalt  }
0x48: {  	_ =	shalt  }
0x49: {  	_ =	shalt  }
0x4a: {  	_ =	shalt  }
0x4b: {  	_ =	shalt  }
0x4c: {  	_ =	shalt  }
0x4d: {  	_ =	shalt  }
0x4e: {  	_ =	shalt  }
0x4f: {  	_ =	shalt  }
0x50: {  	_ =	shalt  }
0x51: {  	_ =	shalt  }
0x52: {  	_ =	shalt  }
0x53: {  	_ =	shalt  }
0x54: {  	_ =	shalt  }
0x55: {  	_ =	shalt  }
0x56: {  	_ =	shalt  }
0x57: {  	_ =	shalt  }
0x58: {  	_ =	shalt  }
0x59: {  	_ =	shalt  }
0x5a: {  	_ =	shalt  }
0x5b: {  	_ =	shalt  }
0x5c: {  	_ =	shalt  }
0x5d: {  	_ =	shalt  }
0x5e: {  	_ =	shalt  }
0x5f: {  	_ =	shalt  }
0x60: {  	_ =	shalt  }
0x61: {  	_ =	shalt  }
0x62: {  	_ =	shalt  }
0x63: {  	_ =	shalt  }
0x64: {  	_ =	shalt  }
0x65: {  	_ =	shalt  }
0x66: {  	_ =	shalt  }
0x67: {  	_ =	shalt  }
0x68: {  	_ =	shalt  }
0x69: {  	_ =	shalt  }
0x6a: {  	_ =	shalt  }
0x6b: {  	_ =	shalt  }
0x6c: {  	_ =	shalt  }
0x6d: {  	_ =	shalt  }
0x6e: {  	_ =	shalt  }
0x6f: {  	_ =	shalt  }
0x70: {  	_ =	shalt  }
0x71: {  	_ =	shalt  }
0x72: {  	_ =	shalt  }
0x73: {  	_ =	shalt  }
0x74: {  	_ =	shalt  }
0x75: {  	_ =	shalt  }
0x76: {  	_ =	shalt  }
0x77: {  	_ =	shalt  }
0x78: {  	_ =	shalt  }
0x79: {  	_ =	shalt  }
0x7a: {  	_ =	shalt  }
0x7b: {  	_ =	shalt  }
0x7c: {  	_ =	shalt  }
0x7d: {  	_ =	shalt  }
0x7e: {  	_ =	shalt  }
0x7f: {  	_ =	shalt  }
0x80: {  	_ =	shalt  }
0x81: {  	_ =	shalt  }
0x82: {  	_ =	shalt  }
0x83: {  	_ =	shalt  }
0x84: {  	_ =	shalt  }
0x85: {  	_ =	shalt  }
0x86: {  	_ =	shalt  }
0x87: {  	_ =	shalt  }
.Lfunc_end0:
.L_simem_size_0:
called_computation.1_lowered:
.L_overlay_start_0:
0x88: {  	s2 =	sld [smem:$0x3FD9]  }
0x89: {  	s3 =	sld [smem:$0x3FFE];
	_ =	sdelay $0x1  }
0x8a: {  	s1 =	srdreg.scid  }
0x8b: {  	s0 =	sand.u32 $0x1, s1  }
0x8c: {  	s14 =	sshll.u32 s0, $0xA;
	s2 =	sadd.s32 s3, s2  }
0x8d: {  	s2 =	sadd.s32 s2, s14  }
0x8e: {  	[smem:$0x3FBC] =	sst s2  }
0x8f: {  	_ = 	snop  }
0x90: {  	s2 =	sld [smem:$0x3FD0];
	_ =	sdelay $0x2  }
0x91: {  	s15 =	simm.s32 $0xA;
	s4 =	simm.s32 $0x10  }
0x92: {  	[smem:s4], [sflag:s15] =	dma.local [hbm:s2], $0x1  }
0x93: {  	_ =	swait.eq [sflag:s15], $0x1  }
0x94: {  	s16 =	sld [smem:$0x11];
	[sflag:s15] =	ssyncset.done $0x0  }
0x95: {  	s17 =	sld [smem:$0x12];
	[sflag:s15] =	ssyncadd.s32 $0xFFFFFFFF  }
0x96: {  	s18 =	sld [smem:$0x13];
	(tm) =	ssettm $0x1  }
0x97: {  	s5 =	sld [smem:$0x3FFB];
	_ =	sdelay $0x3  }
0x98: {  	_ =	strace s5  }
0x99: {  	s5 =	sld [smem:$0x3FFC];
	_ =	sdelay $0x3  }
0x9a: {  	_ =	strace s5  }
0x9b: {  	s5 =	sld [smem:$0x3FFD];
	_ =	sdelay $0x3  }
0x9c: {  	_ =	strace s5  }
0x9d: {  	_ =	strace $0x8FFFFFFF  }
0x9e: {  	s19 =	sld [smem:$0x3FDB];
	_ =	sdelay $0x1  }
0x9f: {  	s6 =	simm.s32 $_scs_section_size  }
0xa0: {  	s7 =	simm.s32 $_size__tile_overlayer_lowered;
	s8 =	simm.s32 $_tile_overlayer_lowered  }
0xa1: {  	s22 =	simm.s32 $0x1BFF;
	s21 =	sshll.u32 s8, $0x1;
	s5 =	sadd.s32 s6, s19  }
0xa2: {  	s9 =	simm.s32 $0x0;
	s20 =	sshll.u32 s7, $0x1;
	s7 =	sadd.s32 s21, s5  }
0xa3: {  	[timem:s9], [sflag:s22] =	dma.local [hbm:s7], s20  }
0xa4: {  	_ =	swait.ge [sflag:s22], s20  }
0xa5: {  	s6 =	ssub.s32 $0x0, s20;
	[sflag:s22] =	ssyncset.done $0x0  }
0xa6: {  	[sflag:s22] =	ssyncadd.s32 s6;
	_ =	sdelay $0x1  }
0xa7: {  	s23 =	simm.s32 $0x1B8B  }
0xa8: {  	_ =	swait.ge [sflag:s23], $0x1  }
0xa9: {  	[sflag:s23] =	ssyncset.done $0x0  }
0xaa: {  	s25 =	simm.s32 $0x1B8E;
	s24 =	sld [smem:$0x3FFE];
	[sflag:s23] =	ssyncadd.s32 $0xFFFFFFFF  }
0xab: {  	s26 =	simm.s32 $execute0_lowered;
	[smem:$0x3FD2] =	sst s25  }
0xac: {  	s7 =	sshll.u32 s26, $0x1;
	_ =	strace $0x80000049;
	[dreg:$0x1] =	wrdreg $0xFFFFFFFF  }
0xad: {  	s28 =	simm.s32 $_size_execute0_lowered;
	s5 =	sadd.s32 s5, s7;
	[dreg:$0x0] =	wrdreg $0x0  }
0xae: {  	s7 =	sshll.u32 s28, $0x1;
	[dreg:$0x2] =	wrdreg s5  }
0xaf: {  	[dreg:$0x3] =	wrdreg s7  }
0xb0: {  	[dreg:$0x4] =	wrdreg $0xC0  }
0xb1: {  	_ =	task [dreg:s9], $0x5FFFF  }
0xb2: {  	[dreg:$0x1] =	wrdreg $0xFFFFFFFF  }
0xb3: {  	[dreg:$0x0] =	wrdreg $0x60  }
0xb4: {  	[dreg:$0x2] =	wrdreg s24  }
0xb5: {  	[dreg:$0x3] =	wrdreg s18  }
0xb6: {  	[dreg:$0x4] =	wrdreg s16  }
0xb7: {  	[dreg:$0x5] =	wrdreg s17  }
0xb8: {  	[dreg:$0x6] =	wrdreg $0x77000  }
0xb9: {  	[dreg:$0x7] =	wrdreg $0x9  }
0xba: {  	_ =	task.clear_ibuf [dreg:s9], $0x8FFFF;
	_ =	strace $0x90000049  }
0xbb: {  	s29 =	simm.s32 $0x9;
	_ =	strace $0x8000004B  }
0xbc: {  	_ =	swait.ge [sflag:s29], $0x1  }
0xbd: {  	[sflag:s29] =	ssyncadd.s32 $0xFFFFFFFF  }
0xbe: {  	_ =	strace $0x9000004B  }
0xbf: {  	_ =	sfence  }
0xc0: {  	s30 =	sld [smem:$0x0];
	_ =	sdelay $0x2  }
0xc1: {  	s31 =	sshll.u32 s1, $0xD;
	s1 =	sshrl.u32 s1, $0x2  }
0xc2: {  	s3 =	sand.u32 $0x4000, s31;
	s1 =	sadd.s32 s1, s30  }
0xc3: {  	s0 =	sor.u32 s3, s0;
	s1 =	sshll.u32 s1, $0x11  }
0xc4: {  	s0 =	sor.u32 s1, s0  }
0xc5: {  	s0 =	sadd.s32 $0x8F2B, s0  }
0xc6: {  	[sflag:s0] =	ssyncadd.remote.s32 $0x1  }
0xc7: {  	_ =	sfence.sel $0xFFFF  }
0xc8: {  	[dreg:$0x0] =	wrdreg $0xFFFFFFFF;
	(pc) =	sbr.abs _section_cstart, $3  }
0xc9: {  	[dreg:$0x1] =	wrdreg $0xFFFFFFFF  }
0xca: {  	_ =	task.clear_ibuf [dreg:s9], $0x2FFFF;
	_ =	strace $0x9FFFFFFF  }
0xcb: {  	(tm) =	ssettm $0x7FFFFFFF  }
tec
execute0_lowered:
.L_overlay_start_1:
0x0: {  	(tag) =	ssettag $0x1  }
0x1: {  	s6 =	rddreg [dreg:$0x0]  }
0x2: {  	s7 =	rddreg [dreg:$0x1]  }
0x3: {  	s10 =	rddreg [dreg:$0x2]  }
0x4: {  	s1 =	rddreg [dreg:$0x3]  }
0x5: {  	s3 =	rddreg [dreg:$0x4];
	s2 =	srdreg.scid  }
0x6: {  	s0 =	rddreg [dreg:$0x5];
	s4 =	simm.s32 $0x0;
	s8 =	sand.u32 $0x1, s2  }
0x7: {  	s15 =	simm.s32 $0x4F00;
	s2 =	stileid.u32;
	s5 =	smul.u32 $0x140000, s8  }
0x8: {  	s16 =	simm.s32 $0x1;
	s17 =	simm.s32 $0x0;
	s9 =	smul.u32 $0x14000, s2  }
0x9: {  	[smem:$0x7FF] =	sst s4;
	s11 =	sshll.u32 s8, $0x4;
	s12 =	smul.u32 $0x50000, s2  }
0xa: {  	_ =	strace $0x8000004A;
	s29 =	ssub.s32 $0x2, s8;
	s8 =	smul.u32 $0x4E200, s8  }
0xb: {  	s14 =	smul.u32 $0x4E20, s2;
	s30 =	sshll.u32 s2, $0x6;
	s11 =	sor.u32 s2, s11  }
0xc: {  	s13 =	sshrl.u32 s29, $0x1;
	s9 =	sadd.s32 s9, s5;
	s11 =	smul.u32 $0x4E20, s11  }
0xd: {  	s5 =	sadd.s32 $0x104400, s6;
	s12 =	sshrl.u32 s12, $0x2;
	s13 =	ssub.s32 s29, s13  }
0xe: {  	s14 =	sadd.s32 s14, s8;
	s9 =	sshrl.u32 s9, $0x3;
	s12 =	sadd.s32 s12, s3  }
0xf: {  	s31 =	sshrl.u32 s14, $0x3;
	s14 =	simm.s32 $0x50;
	s9 =	sadd.s32 s9, s6  }
0x10: {  	s6 =	sor.u32 $0x1C02, s30;
	s11 =	sshrl.u32 s11, $0x3;
	s10 =	sadd.s32 s31, s10  }
0x11: {  	s7 =	sadd.s32 s7, s11;
	s8 =	sadd.s32 $0x3200, s9;
	s9 =	smax.u32 s13, $0x1  }
0x12: {  	s11 =	sshrl.u32 s12, $0x3;
	s12 =	simm.s32 $0x2;
	s13 =	simm.s32 $0x4E80  }
.LBB2_1:
0x13: {  	[spmem:s11], [sflag:s6] =	dma.local [hbm:s1], $0x2800  }
0x14: {  	_ =	swait.ge [sflag:s12], $0x2800  }
0x15: {  	[sflag:s12] =	ssyncset.done $0x0  }
0x16: {  	[sflag:s12] =	ssyncadd.s32 $0xFFFFD800  }
0x17: {  	[tilespmem:s4], [sflag:$0x2] =	stream.linear.gather [hbm4b:s7+s4], $0x4E20, $0x38;
	[tilespmem:$0x1B700] =	vst v63  }
0x18: {  	_ =	swait.ge [sflag:s12], $0x4E20  }
0x19: {  	[sflag:s12] =	ssyncset.done $0x0  }
0x1a: {  	[sflag:s12] =	ssyncadd.s32 $0xFFFFB1E0  }
0x1b: {  	s18 =	sadd.s32 $0x0, s10;
	[bflag:$0x0] =	sbarrier.arrive $0xFFFF  }
0x1c: {  	[tilespmem:s13], [sflag:$0x2] =	stream.linear.gather [hbm4b:s18+s4], $0x50, $0x38;
	[tilespmem:$0x1B700] =	vst v63  }
0x1d: {  	_ =	swait.ge [sflag:s12], $0x50  }
0x1e: {  	[sflag:s12] =	ssyncset.done $0x0  }
0x1f: {  	[sflag:s12] =	ssyncadd.s32 $0xFFFFFFB0  }
0x20: {  	[tilespmem:s15], [sflag:$0x1] =	stream.indirect.gather [hbm4b:s5+s14], $0x80, s4, s14, $0xb8;
	[tilespmem:$0x1B700] =	vst v63  }
0x21: {  	_ =	swait.ge [sflag:s16], $0x2800  }
0x22: {  	[sflag:s16] =	ssyncset.done $0x0  }
0x23: {  	[sflag:s16] =	ssyncadd.s32 $0xFFFFD800  }
0x24: {  	[spmem:s3] =	stream.indirect.scatter.add.f32 [tilespmem:s15], [sflag:$0x2], $0x80, s13, s14, $0xb8;
	[tilespmem:$0x1B700] =	vst v63  }
0x25: {  	s19 =	simm.s32 $0xA;
	_ =	swait.ge [sflag:s12], $0x2800  }
0x26: {  	s20 =	simm.s32 $0x14;
	s18 =	simm.s32 $0x50;
	[sflag:s12] =	ssyncset.done $0x0  }
.LBB2_2:
0x27: {  	s21 =	sadd.s32 s19, s10  }
0x28: {  	[sflag:s12] =	ssyncadd.s32 $0xFFFFD800;
	s19 =	smov.u32 s20;
	s22 =	sadd.s32 $0xA, s20  }
0x29: {  	[tilespmem:s13], [sflag:$0x2] =	stream.linear.gather [hbm4b:s21+s4], $0x50, $0x38;
	[tilespmem:$0x1B700] =	vst v63  }
0x2a: {  	p0 =	sne.s32 s20, $0x9BA;
	_ =	swait.ge [sflag:s12], $0x50  }
0x2b: {  	[sflag:s12] =	ssyncset.done $0x0  }
0x2c: {  	[sflag:s12] =	ssyncadd.s32 $0xFFFFFFB0  }
0x2d: {  	[tilespmem:s15], [sflag:$0x1] =	stream.indirect.gather [hbm4b:s5+s14], $0x80, s18, s14, $0xb8;
	[tilespmem:$0x1B700] =	vst v63  }
0x2e: {  	_ =	swait.ge [sflag:s16], $0x2800  }
.Ltmp0:
0x2f: {  	[sflag:s16] =	ssyncset.done $0x0;
	(pc) =	sbr.rel @p0 .LBB2_2-.Ltmp0, $4  }
0x30: {  	[sflag:s16] =	ssyncadd.s32 $0xFFFFD800  }
0x31: {  	[spmem:s3] =	stream.indirect.scatter.add.f32 [tilespmem:s15], [sflag:$0x2], $0x80, s13, s14, $0xb8;
	[tilespmem:$0x1B700] =	vst v63  }
0x32: {  	_ =	swait.ge [sflag:s12], $0x2800  }
0x33: {  	s20 =	smov.u32 s22;
	s18 =	sadd.s32 $0x50, s18;
	[sflag:s12] =	ssyncset.done $0x0  }
0x34: {  	s19 =	sadd.s32 s19, s10;
	[sflag:s12] =	ssyncadd.s32 $0xFFFFD800  }
0x35: {  	[tilespmem:s13], [sflag:$0x2] =	stream.linear.gather [hbm4b:s19+s4], $0x50, $0x38;
	[tilespmem:$0x1B700] =	vst v63  }
0x36: {  	_ =	swait.ge [sflag:s12], $0x50  }
0x37: {  	[sflag:s12] =	ssyncset.done $0x0  }
0x38: {  	[sflag:s12] =	ssyncadd.s32 $0xFFFFFFB0  }
0x39: {  	[tilespmem:s15], [sflag:$0x1] =	stream.indirect.gather [hbm4b:s5+s14], $0x80, s18, s14, $0xb8;
	[tilespmem:$0x1B700] =	vst v63  }
0x3a: {  	_ =	swait.ge [sflag:s16], $0x2800  }
0x3b: {  	[sflag:s16] =	ssyncset.done $0x0  }
0x3c: {  	[sflag:s16] =	ssyncadd.s32 $0xFFFFD800  }
0x3d: {  	[spmem:s3] =	stream.indirect.scatter.add.f32 [tilespmem:s15], [sflag:$0x2], $0x80, s13, s14, $0xb8;
	[tilespmem:$0x1B700] =	vst v63  }
0x3e: {  	_ =	swait.ge [sflag:s12], $0x2800  }
0x3f: {  	s17 =	sadd.s32 $0x1, s17;
	[sflag:s12] =	ssyncset.done $0x0  }
0x40: {  	p0 =	sne.s32 s17, s9;
	[sflag:s12] =	ssyncadd.s32 $0xFFFFD800  }
.Ltmp1:
0x41: {  	[bflag:$0x0] =	sbarrier.arrive $0xFFFF;
	(pc) =	sbr.rel @p0 .LBB2_1-.Ltmp1, $4  }
0x42: {  	[hbm:s8], [sflag:s6] =	dma.local [spmem:s11], $0x2800  }
0x43: {  	_ =	swait.ge [sflag:s12], $0x2800  }
0x44: {  	[sflag:s12] =	ssyncset.done $0x0  }
0x45: {  	[sflag:s12] =	ssyncadd.s32 $0xFFFFD800  }
0x46: {  	_ =	sfence.sel $0x180000  }
0x47: {  	[bflag:$0x0] =	sbarrier.arrive $0xFFFF  }
0x48: {  	p0 =	sne.s32 s2, $0x0;
	_ =	strace $0x9000004A  }
0x49: {  	s0 =	sadd.s32 @!p0 $0x100000, s0;
	[bflag:$0x2] =	sbarrier.arrive $0xFFFF  }
0x4a: {  	[sflag:s0] =	ssyncadd.tile.s32 @!p0 $0x1;
	_ =	shalt  }
.Lfunc_end2:
_tile_overlayer_lowered:
.L_overlay_start_2:
0x4b: {  	(tag) =	ssettag $0x2  }
0x4c: {  	s0 =	rddreg [dreg:$0x0];
	s2 =	stileid.u32  }
0x4d: {  	s1 =	rddreg [dreg:$0x1];
	p0 =	sne.s32 s2, $0x0  }
0x4e: {  	s3 =	rddreg [dreg:$0x2];
	[bflag:$0x3] =	sbarrier.arrive $0xFFFF;
	s2 =	simm.s32 @!p0 $0x1C02  }
0x4f: {  	[timem:s3], [sflag:s2] =	dma.local @!p0 [hbm:s0], s1  }
0x50: {  	s0 =	simm.s32 @!p0 $0x2  }
0x51: {  	_ =	swait.ge @!p0 [sflag:s0], s1  }
0x52: {  	s1 =	ssub.s32 @!p0 $0x0, s1;
	[sflag:s0] =	ssyncset.done @!p0 $0x0  }
0x53: {  	[sflag:s0] =	ssyncadd.s32 @!p0 s1  }
0x54: {  	[bflag:$0x3] =	sbarrier.arrive $0xFFFF  }
0x55: {  	_ =	shalt  }

// kernel: kernel.15.cloned.1.call-start
scs
__scs_entry_jumppad:
0x0: {  	(pc) =	sbr.rel $0x88, $3  }
0x1: {  	(tag) =	ssettag $0x0;
	lr =	simm.s32 $0x1  }
0x2: {  	[smem:$0x3F95] =	sst lr;
	_ =	strace $0xD0000000  }
0x3: {  	_ = 	snop  }
0x4: {  	_ = 	snop  }
0x5: {  	_ = 	snop  }
0x6: {  	_ = 	snop  }
0x7: {  	_ = 	snop  }
__scs_overlays_trampoline_lowered:
0x8: {  	[smem:$0x3FA4] =	sst s0  }
0x9: {  	[smem:$0x3FA5] =	sst s1  }
0xa: {  	[smem:$0x3FA6] =	sst s2  }
0xb: {  	[smem:$0x3FA7] =	sst s3  }
0xc: {  	[smem:$0x3FA8] =	sst s4  }
0xd: {  	[smem:$0x3FA9] =	sst s5  }
0xe: {  	[smem:$0x3FAA] =	sst s6  }
0xf: {  	[smem:$0x3FAB] =	sst s7  }
0x10: {  	[smem:$0x3FAC] =	sst s8  }
0x11: {  	[smem:$0x3FAD] =	sst s9;
	s0 =	simm.s32 @!p0 $0x0  }
0x12: {  	s1 =	sld [smem:$0x3F93];
	s0 =	simm.s32 @p0 $0x1  }
0x13: {  	[smem:$0x3FAE] =	sst s0;
	s0 =	simm.s32 @!p1 $0x0  }
0x14: {  	s2 =	sld [smem:$0x3F92];
	s0 =	simm.s32 @p1 $0x1  }
0x15: {  	[smem:$0x3FAF] =	sst s0;
	s0 =	simm.s32 @!p2 $0x0  }
0x16: {  	s3 =	sld [smem:$0x3FDB];
	s0 =	simm.s32 @p2 $0x1  }
0x17: {  	s4 =	simm.s32 $0x1BF5;
	[smem:$0x3FB1] =	sst s0  }
0x18: {  	s0 =	sld [smem:$0x3F94];
	_ =	swait.ge [sflag:s4], $0x0  }
0x19: {  	s7 =	sld [smem:$0x3F95]  }
0x1a: {  	s8 =	sadd.s32 $0xFFFFE003, lr  }
0x1b: {  	s9 =	sadd.s32 $0xFFFFFEF7, lr;
	s5 =	simm.s32 $0xFFFFFFFF;
	p2 =	slt.u32 s8, $0xFFFFF086  }
0x1c: {  	p1 =	slt.u32 s9, $0xF7A;
	s5 =	simm.s32 @!p2 $0x0  }
0x1d: {  	s5 =	simm.s32 @p1 $0x1;
	p0 =	seq.s32 s7, s2  }
0x1e: {  	s7 =	smul.u32 @!p0 $0xF7A, s2;
	p2 =	seq.s32 @!p0 s5, $0x0  }
0x1f: {  	s9 =	smul.u32 $0xF7A, s1;
	s8 =	simm.s32 @!p0 $0x1BF5;
	p2 =	por !p2, p0  }
0x20: {  	[sflag:s8] =	ssyncset.s32 @!p0 $0xFFFFF086;
	s6 =	sadd.s32 @!p0 s3, s7;
	s7 =	simm.s32 @!p0 $0x108  }
0x21: {  	s3 =	sadd.s32 s3, s9;
	s6 =	sadd.s32 @!p0 $0x88, s6;
	s7 =	simm.s32 @p2 $0x1082  }
0x22: {  	[simem:s7], [sflag:s8] =	dma.local @!p0 [hbm:s6], $0xF7A  }
0x23: {  	s9 =	sor.u32 $0xD0000000, s2;
	s6 =	simm.s32 $0x108;
	_ =	swait.ge @!p0 [sflag:s8], $0x0  }
0x24: {  	s3 =	sadd.s32 $0x88, s3;
	s6 =	simm.s32 @!p1 $0x1082;
	[sflag:s4] =	ssyncset.s32 $0xFFFFF086  }
0x25: {  	[simem:s6], [sflag:s4] =	dma.local [hbm:s3], $0xF7A  }
0x26: {  	[smem:$0x3F95] =	sst s1;
	(tag) =	ssettag s2;
	_ =	strace s9  }
0x27: {  	s1 =	sld [smem:$0x3FA5]  }
0x28: {  	s2 =	sld [smem:$0x3FA6]  }
0x29: {  	s4 =	sld [smem:$0x3FA8]  }
0x2a: {  	p0 =	seq.s32 s5, $0x0;
	s5 =	sld [smem:$0x3FA9]  }
0x2b: {  	s6 =	sld [smem:$0x3FAA]  }
0x2c: {  	s7 =	sld [smem:$0x3FAB]  }
0x2d: {  	s3 =	simm.s32 $0x108;
	s8 =	sld [smem:$0x3FAC]  }
0x2e: {  	s3 =	simm.s32 @!p0 $0x1082;
	s9 =	sld [smem:$0x3FAD]  }
0x2f: {  	lr =	sadd.s32 s0, s3;
	s0 =	sld [smem:$0x3FA4]  }
0x30: {  	s3 =	sld [smem:$0x3FA7]  }
0x31: {  	[smem:$0x3FB0] =	sst s10  }
0x32: {  	s10 =	sld [smem:$0x3FAE];
	_ =	sdelay $0x3  }
0x33: {  	p0 =	seq.s32 s10, $0x1;
	s10 =	sld [smem:$0x3FB0];
	_ =	sdelay $0x3  }
0x34: {  	[smem:$0x3FB0] =	sst s10  }
0x35: {  	s10 =	sld [smem:$0x3FAF];
	_ =	sdelay $0x3  }
0x36: {  	p1 =	seq.s32 s10, $0x1;
	s10 =	sld [smem:$0x3FB0];
	_ =	sdelay $0x3  }
0x37: {  	[smem:$0x3FB0] =	sst s10  }
0x38: {  	s10 =	sld [smem:$0x3FB1]  }
0x39: {  	_ = 	snop;
	(pc) =	sbr.ind lr, $3  }
0x3a: {  	_ = 	snop  }
0x3b: {  	_ = 	snop  }
0x3c: {  	p2 =	seq.s32 s10, $0x1;
	s10 =	sld [smem:$0x3FB0]  }
0x3d: {  	_ =	shalt  }
0x3e: {  	_ =	shalt  }
0x3f: {  	_ =	shalt  }
0x40: {  	_ =	shalt  }
0x41: {  	_ =	shalt  }
0x42: {  	_ =	shalt  }
0x43: {  	_ =	shalt  }
0x44: {  	_ =	shalt  }
0x45: {  	_ =	shalt  }
0x46: {  	_ =	shalt  }
0x47: {  	_ =	shalt  }
0x48: {  	_ =	shalt  }
0x49: {  	_ =	shalt  }
0x4a: {  	_ =	shalt  }
0x4b: {  	_ =	shalt  }
0x4c: {  	_ =	shalt  }
0x4d: {  	_ =	shalt  }
0x4e: {  	_ =	shalt  }
0x4f: {  	_ =	shalt  }
0x50: {  	_ =	shalt  }
0x51: {  	_ =	shalt  }
0x52: {  	_ =	shalt  }
0x53: {  	_ =	shalt  }
0x54: {  	_ =	shalt  }
0x55: {  	_ =	shalt  }
0x56: {  	_ =	shalt  }
0x57: {  	_ =	shalt  }
0x58: {  	_ =	shalt  }
0x59: {  	_ =	shalt  }
0x5a: {  	_ =	shalt  }
0x5b: {  	_ =	shalt  }
0x5c: {  	_ =	shalt  }
0x5d: {  	_ =	shalt  }
0x5e: {  	_ =	shalt  }
0x5f: {  	_ =	shalt  }
0x60: {  	_ =	shalt  }
0x61: {  	_ =	shalt  }
0x62: {  	_ =	shalt  }
0x63: {  	_ =	shalt  }
0x64: {  	_ =	shalt  }
0x65: {  	_ =	shalt  }
0x66: {  	_ =	shalt  }
0x67: {  	_ =	shalt  }
0x68: {  	_ =	shalt  }
0x69: {  	_ =	shalt  }
0x6a: {  	_ =	shalt  }
0x6b: {  	_ =	shalt  }
0x6c: {  	_ =	shalt  }
0x6d: {  	_ =	shalt  }
0x6e: {  	_ =	shalt  }
0x6f: {  	_ =	shalt  }
0x70: {  	_ =	shalt  }
0x71: {  	_ =	shalt  }
0x72: {  	_ =	shalt  }
0x73: {  	_ =	shalt  }
0x74: {  	_ =	shalt  }
0x75: {  	_ =	shalt  }
0x76: {  	_ =	shalt  }
0x77: {  	_ =	shalt  }
0x78: {  	_ =	shalt  }
0x79: {  	_ =	shalt  }
0x7a: {  	_ =	shalt  }
0x7b: {  	_ =	shalt  }
0x7c: {  	_ =	shalt  }
0x7d: {  	_ =	shalt  }
0x7e: {  	_ =	shalt  }
0x7f: {  	_ =	shalt  }
0x80: {  	_ =	shalt  }
0x81: {  	_ =	shalt  }
0x82: {  	_ =	shalt  }
0x83: {  	_ =	shalt  }
0x84: {  	_ =	shalt  }
0x85: {  	_ =	shalt  }
0x86: {  	_ =	shalt  }
0x87: {  	_ =	shalt  }
.Lfunc_end0:
.L_simem_size_0:
called_computation.2_lowered:
.L_overlay_start_0:
0x88: {  	s2 =	sld [smem:$0x3FD9]  }
0x89: {  	s3 =	sld [smem:$0x3FFE];
	_ =	sdelay $0x1  }
0x8a: {  	s1 =	srdreg.scid  }
0x8b: {  	s0 =	sand.u32 $0x1, s1  }
0x8c: {  	s14 =	sshll.u32 s0, $0xA;
	s2 =	sadd.s32 s3, s2  }
0x8d: {  	s2 =	sadd.s32 s2, s14  }
0x8e: {  	[smem:$0x3FBC] =	sst s2  }
0x8f: {  	_ = 	snop  }
0x90: {  	s2 =	sld [smem:$0x3FD0];
	_ =	sdelay $0x2  }
0x91: {  	s15 =	simm.s32 $0xA;
	s4 =	simm.s32 $0x10  }
0x92: {  	[smem:s4], [sflag:s15] =	dma.local [hbm:s2], $0x1  }
0x93: {  	_ =	swait.eq [sflag:s15], $0x1  }
0x94: {  	s16 =	sld [smem:$0x11];
	[sflag:s15] =	ssyncset.done $0x0  }
0x95: {  	s17 =	sld [smem:$0x12];
	[sflag:s15] =	ssyncadd.s32 $0xFFFFFFFF  }
0x96: {  	s18 =	sld [smem:$0x13];
	(tm) =	ssettm $0x1  }
0x97: {  	s5 =	sld [smem:$0x3FFB];
	_ =	sdelay $0x3  }
0x98: {  	_ =	strace s5  }
0x99: {  	s5 =	sld [smem:$0x3FFC];
	_ =	sdelay $0x3  }
0x9a: {  	_ =	strace s5  }
0x9b: {  	s5 =	sld [smem:$0x3FFD];
	_ =	sdelay $0x3  }
0x9c: {  	_ =	strace s5  }
0x9d: {  	_ =	strace $0x8FFFFFFF  }
0x9e: {  	s19 =	sld [smem:$0x3FDB];
	_ =	sdelay $0x1  }
0x9f: {  	s6 =	simm.s32 $_scs_section_size  }
0xa0: {  	s7 =	simm.s32 $_size__tile_overlayer_lowered;
	s8 =	simm.s32 $_tile_overlayer_lowered  }
0xa1: {  	s22 =	simm.s32 $0x1BFF;
	s21 =	sshll.u32 s8, $0x1;
	s5 =	sadd.s32 s6, s19  }
0xa2: {  	s9 =	simm.s32 $0x0;
	s20 =	sshll.u32 s7, $0x1;
	s7 =	sadd.s32 s21, s5  }
0xa3: {  	[timem:s9], [sflag:s22] =	dma.local [hbm:s7], s20  }
0xa4: {  	_ =	swait.ge [sflag:s22], s20  }
0xa5: {  	s6 =	ssub.s32 $0x0, s20;
	[sflag:s22] =	ssyncset.done $0x0  }
0xa6: {  	[sflag:s22] =	ssyncadd.s32 s6;
	_ =	sdelay $0x1  }
0xa7: {  	s23 =	simm.s32 $0x1B8B  }
0xa8: {  	_ =	swait.ge [sflag:s23], $0x1  }
0xa9: {  	[sflag:s23] =	ssyncset.done $0x0  }
0xaa: {  	s25 =	simm.s32 $0x1B8E;
	s24 =	sld [smem:$0x3FFE];
	[sflag:s23] =	ssyncadd.s32 $0xFFFFFFFF  }
0xab: {  	s26 =	simm.s32 $execute0_lowered;
	[smem:$0x3FD2] =	sst s25  }
0xac: {  	s7 =	sshll.u32 s26, $0x1;
	_ =	strace $0x8000004C;
	[dreg:$0x1] =	wrdreg $0xFFFFFFFF  }
0xad: {  	s28 =	simm.s32 $_size_execute0_lowered;
	s5 =	sadd.s32 s5, s7;
	[dreg:$0x0] =	wrdreg $0x0  }
0xae: {  	s7 =	sshll.u32 s28, $0x1;
	[dreg:$0x2] =	wrdreg s5  }
0xaf: {  	[dreg:$0x3] =	wrdreg s7  }
0xb0: {  	[dreg:$0x4] =	wrdreg $0xC0  }
0xb1: {  	_ =	task [dreg:s9], $0x5FFFF  }
0xb2: {  	[dreg:$0x1] =	wrdreg $0xFFFFFFFF  }
0xb3: {  	[dreg:$0x0] =	wrdreg $0x60  }
0xb4: {  	[dreg:$0x2] =	wrdreg s24  }
0xb5: {  	[dreg:$0x3] =	wrdreg s18  }
0xb6: {  	[dreg:$0x4] =	wrdreg s16  }
0xb7: {  	[dreg:$0x5] =	wrdreg s17  }
0xb8: {  	[dreg:$0x6] =	wrdreg $0x77000  }
0xb9: {  	[dreg:$0x7] =	wrdreg $0x9  }
0xba: {  	_ =	task.clear_ibuf [dreg:s9], $0x8FFFF;
	_ =	strace $0x9000004C  }
0xbb: {  	s29 =	simm.s32 $0x9;
	_ =	strace $0x8000004E  }
0xbc: {  	_ =	swait.ge [sflag:s29], $0x1  }
0xbd: {  	[sflag:s29] =	ssyncadd.s32 $0xFFFFFFFF  }
0xbe: {  	_ =	strace $0x9000004E  }
0xbf: {  	_ =	sfence  }
0xc0: {  	s30 =	sld [smem:$0x0];
	_ =	sdelay $0x2  }
0xc1: {  	s31 =	sshll.u32 s1, $0xD;
	s1 =	sshrl.u32 s1, $0x2  }
0xc2: {  	s3 =	sand.u32 $0x4000, s31;
	s1 =	sadd.s32 s1, s30  }
0xc3: {  	s0 =	sor.u32 s3, s0;
	s1 =	sshll.u32 s1, $0x11  }
0xc4: {  	s0 =	sor.u32 s1, s0  }
0xc5: {  	s0 =	sadd.s32 $0x8F2B, s0  }
0xc6: {  	[sflag:s0] =	ssyncadd.remote.s32 $0x1  }
0xc7: {  	_ =	sfence.sel $0xFFFF  }
0xc8: {  	[dreg:$0x0] =	wrdreg $0xFFFFFFFF;
	(pc) =	sbr.abs _section_cstart, $3  }
0xc9: {  	[dreg:$0x1] =	wrdreg $0xFFFFFFFF  }
0xca: {  	_ =	task.clear_ibuf [dreg:s9], $0x2FFFF;
	_ =	strace $0x9FFFFFFF  }
0xcb: {  	(tm) =	ssettm $0x7FFFFFFF  }
tec
execute0_lowered:
.L_overlay_start_1:
0x0: {  	(tag) =	ssettag $0x1  }
0x1: {  	s6 =	rddreg [dreg:$0x0]  }
0x2: {  	s7 =	rddreg [dreg:$0x1]  }
0x3: {  	s10 =	rddreg [dreg:$0x2]  }
0x4: {  	s1 =	rddreg [dreg:$0x3]  }
0x5: {  	s3 =	rddreg [dreg:$0x4];
	s2 =	srdreg.scid  }
0x6: {  	s0 =	rddreg [dreg:$0x5];
	s4 =	simm.s32 $0x0;
	s8 =	sand.u32 $0x1, s2  }
0x7: {  	s15 =	simm.s32 $0x4F00;
	s2 =	stileid.u32;
	s5 =	smul.u32 $0x140000, s8  }
0x8: {  	s16 =	simm.s32 $0x1;
	s17 =	simm.s32 $0x0;
	s9 =	smul.u32 $0x14000, s2  }
0x9: {  	[smem:$0x7FF] =	sst s4;
	s11 =	sshll.u32 s8, $0x4;
	s12 =	smul.u32 $0x50000, s2  }
0xa: {  	_ =	strace $0x8000004D;
	s29 =	ssub.s32 $0x2, s8;
	s8 =	smul.u32 $0x4E200, s8  }
0xb: {  	s14 =	smul.u32 $0x4E20, s2;
	s30 =	sshll.u32 s2, $0x6;
	s11 =	sor.u32 s2, s11  }
0xc: {  	s13 =	sshrl.u32 s29, $0x1;
	s9 =	sadd.s32 s9, s5;
	s11 =	smul.u32 $0x4E20, s11  }
0xd: {  	s5 =	sadd.s32 $0x53200, s6;
	s12 =	sshrl.u32 s12, $0x2;
	s13 =	ssub.s32 s29, s13  }
0xe: {  	s14 =	sadd.s32 s14, s8;
	s9 =	sshrl.u32 s9, $0x3;
	s12 =	sadd.s32 s12, s3  }
0xf: {  	s31 =	sshrl.u32 s14, $0x3;
	s14 =	simm.s32 $0x50;
	s9 =	sadd.s32 s9, s6  }
0x10: {  	s6 =	sor.u32 $0x1C02, s30;
	s11 =	sshrl.u32 s11, $0x3;
	s10 =	sadd.s32 s31, s10  }
0x11: {  	s7 =	sadd.s32 s7, s11;
	s8 =	sadd.s32 $0x3200, s9;
	s9 =	smax.u32 s13, $0x1  }
0x12: {  	s11 =	sshrl.u32 s12, $0x3;
	s12 =	simm.s32 $0x2;
	s13 =	simm.s32 $0x4E80  }
.LBB2_1:
0x13: {  	[spmem:s11], [sflag:s6] =	dma.local [hbm:s1], $0x2800  }
0x14: {  	_ =	swait.ge [sflag:s12], $0x2800  }
0x15: {  	[sflag:s12] =	ssyncset.done $0x0  }
0x16: {  	[sflag:s12] =	ssyncadd.s32 $0xFFFFD800  }
0x17: {  	[tilespmem:s4], [sflag:$0x2] =	stream.linear.gather [hbm4b:s7+s4], $0x4E20, $0x38;
	[tilespmem:$0x1B700] =	vst v63  }
0x18: {  	_ =	swait.ge [sflag:s12], $0x4E20  }
0x19: {  	[sflag:s12] =	ssyncset.done $0x0  }
0x1a: {  	[sflag:s12] =	ssyncadd.s32 $0xFFFFB1E0  }
0x1b: {  	s18 =	sadd.s32 $0x0, s10;
	[bflag:$0x0] =	sbarrier.arrive $0xFFFF  }
0x1c: {  	[tilespmem:s13], [sflag:$0x2] =	stream.linear.gather [hbm4b:s18+s4], $0x50, $0x38;
	[tilespmem:$0x1B700] =	vst v63  }
0x1d: {  	_ =	swait.ge [sflag:s12], $0x50  }
0x1e: {  	[sflag:s12] =	ssyncset.done $0x0  }
0x1f: {  	[sflag:s12] =	ssyncadd.s32 $0xFFFFFFB0  }
0x20: {  	[tilespmem:s15], [sflag:$0x1] =	stream.indirect.gather [hbm4b:s5+s14], $0x80, s4, s14, $0xb8;
	[tilespmem:$0x1B700] =	vst v63  }
0x21: {  	_ =	swait.ge [sflag:s16], $0x2800  }
0x22: {  	[sflag:s16] =	ssyncset.done $0x0  }
0x23: {  	[sflag:s16] =	ssyncadd.s32 $0xFFFFD800  }
0x24: {  	[spmem:s3] =	stream.indirect.scatter.add.f32 [tilespmem:s15], [sflag:$0x2], $0x80, s13, s14, $0xb8;
	[tilespmem:$0x1B700] =	vst v63  }
0x25: {  	s19 =	simm.s32 $0xA;
	_ =	swait.ge [sflag:s12], $0x2800  }
0x26: {  	s20 =	simm.s32 $0x14;
	s18 =	simm.s32 $0x50;
	[sflag:s12] =	ssyncset.done $0x0  }
.LBB2_2:
0x27: {  	s21 =	sadd.s32 s19, s10  }
0x28: {  	[sflag:s12] =	ssyncadd.s32 $0xFFFFD800;
	s19 =	smov.u32 s20;
	s22 =	sadd.s32 $0xA, s20  }
0x29: {  	[tilespmem:s13], [sflag:$0x2] =	stream.linear.gather [hbm4b:s21+s4], $0x50, $0x38;
	[tilespmem:$0x1B700] =	vst v63  }
0x2a: {  	p0 =	sne.s32 s20, $0x9BA;
	_ =	swait.ge [sflag:s12], $0x50  }
0x2b: {  	[sflag:s12] =	ssyncset.done $0x0  }
0x2c: {  	[sflag:s12] =	ssyncadd.s32 $0xFFFFFFB0  }
0x2d: {  	[tilespmem:s15], [sflag:$0x1] =	stream.indirect.gather [hbm4b:s5+s14], $0x80, s18, s14, $0xb8;
	[tilespmem:$0x1B700] =	vst v63  }
0x2e: {  	_ =	swait.ge [sflag:s16], $0x2800  }
.Ltmp0:
0x2f: {  	[sflag:s16] =	ssyncset.done $0x0;
	(pc) =	sbr.rel @p0 .LBB2_2-.Ltmp0, $4  }
0x30: {  	[sflag:s16] =	ssyncadd.s32 $0xFFFFD800  }
0x31: {  	[spmem:s3] =	stream.indirect.scatter.add.f32 [tilespmem:s15], [sflag:$0x2], $0x80, s13, s14, $0xb8;
	[tilespmem:$0x1B700] =	vst v63  }
0x32: {  	_ =	swait.ge [sflag:s12], $0x2800  }
0x33: {  	s20 =	smov.u32 s22;
	s18 =	sadd.s32 $0x50, s18;
	[sflag:s12] =	ssyncset.done $0x0  }
0x34: {  	s19 =	sadd.s32 s19, s10;
	[sflag:s12] =	ssyncadd.s32 $0xFFFFD800  }
0x35: {  	[tilespmem:s13], [sflag:$0x2] =	stream.linear.gather [hbm4b:s19+s4], $0x50, $0x38;
	[tilespmem:$0x1B700] =	vst v63  }
0x36: {  	_ =	swait.ge [sflag:s12], $0x50  }
0x37: {  	[sflag:s12] =	ssyncset.done $0x0  }
0x38: {  	[sflag:s12] =	ssyncadd.s32 $0xFFFFFFB0  }
0x39: {  	[tilespmem:s15], [sflag:$0x1] =	stream.indirect.gather [hbm4b:s5+s14], $0x80, s18, s14, $0xb8;
	[tilespmem:$0x1B700] =	vst v63  }
0x3a: {  	_ =	swait.ge [sflag:s16], $0x2800  }
0x3b: {  	[sflag:s16] =	ssyncset.done $0x0  }
0x3c: {  	[sflag:s16] =	ssyncadd.s32 $0xFFFFD800  }
0x3d: {  	[spmem:s3] =	stream.indirect.scatter.add.f32 [tilespmem:s15], [sflag:$0x2], $0x80, s13, s14, $0xb8;
	[tilespmem:$0x1B700] =	vst v63  }
0x3e: {  	_ =	swait.ge [sflag:s12], $0x2800  }
0x3f: {  	s17 =	sadd.s32 $0x1, s17;
	[sflag:s12] =	ssyncset.done $0x0  }
0x40: {  	p0 =	sne.s32 s17, s9;
	[sflag:s12] =	ssyncadd.s32 $0xFFFFD800  }
.Ltmp1:
0x41: {  	[bflag:$0x0] =	sbarrier.arrive $0xFFFF;
	(pc) =	sbr.rel @p0 .LBB2_1-.Ltmp1, $4  }
0x42: {  	[hbm:s8], [sflag:s6] =	dma.local [spmem:s11], $0x2800  }
0x43: {  	_ =	swait.ge [sflag:s12], $0x2800  }
0x44: {  	[sflag:s12] =	ssyncset.done $0x0  }
0x45: {  	[sflag:s12] =	ssyncadd.s32 $0xFFFFD800  }
0x46: {  	_ =	sfence.sel $0x180000  }
0x47: {  	[bflag:$0x0] =	sbarrier.arrive $0xFFFF  }
0x48: {  	p0 =	sne.s32 s2, $0x0;
	_ =	strace $0x9000004D  }
0x49: {  	s0 =	sadd.s32 @!p0 $0x100000, s0;
	[bflag:$0x2] =	sbarrier.arrive $0xFFFF  }
0x4a: {  	[sflag:s0] =	ssyncadd.tile.s32 @!p0 $0x1;
	_ =	shalt  }
.Lfunc_end2:
_tile_overlayer_lowered:
.L_overlay_start_2:
0x4b: {  	(tag) =	ssettag $0x2  }
0x4c: {  	s0 =	rddreg [dreg:$0x0];
	s2 =	stileid.u32  }
0x4d: {  	s1 =	rddreg [dreg:$0x1];
	p0 =	sne.s32 s2, $0x0  }
0x4e: {  	s3 =	rddreg [dreg:$0x2];
	[bflag:$0x3] =	sbarrier.arrive $0xFFFF;
	s2 =	simm.s32 @!p0 $0x1C02  }
0x4f: {  	[timem:s3], [sflag:s2] =	dma.local @!p0 [hbm:s0], s1  }
0x50: {  	s0 =	simm.s32 @!p0 $0x2  }
0x51: {  	_ =	swait.ge @!p0 [sflag:s0], s1  }
0x52: {  	s1 =	ssub.s32 @!p0 $0x0, s1;
	[sflag:s0] =	ssyncset.done @!p0 $0x0  }
0x53: {  	[sflag:s0] =	ssyncadd.s32 @!p0 s1  }
0x54: {  	[bflag:$0x3] =	sbarrier.arrive $0xFFFF  }
0x55: {  	_ =	shalt  }

// kernel: kernel.9.cloned.1.call-start
scs
__scs_entry_jumppad:
0x0: {  	(pc) =	sbr.rel $0x88, $3  }
0x1: {  	(tag) =	ssettag $0x0;
	lr =	simm.s32 $0x1  }
0x2: {  	[smem:$0x3F95] =	sst lr;
	_ =	strace $0xD0000000  }
0x3: {  	_ = 	snop  }
0x4: {  	_ = 	snop  }
0x5: {  	_ = 	snop  }
0x6: {  	_ = 	snop  }
0x7: {  	_ = 	snop  }
__scs_overlays_trampoline_lowered:
0x8: {  	[smem:$0x3FA4] =	sst s0  }
0x9: {  	[smem:$0x3FA5] =	sst s1  }
0xa: {  	[smem:$0x3FA6] =	sst s2  }
0xb: {  	[smem:$0x3FA7] =	sst s3  }
0xc: {  	[smem:$0x3FA8] =	sst s4  }
0xd: {  	[smem:$0x3FA9] =	sst s5  }
0xe: {  	[smem:$0x3FAA] =	sst s6  }
0xf: {  	[smem:$0x3FAB] =	sst s7  }
0x10: {  	[smem:$0x3FAC] =	sst s8  }
0x11: {  	[smem:$0x3FAD] =	sst s9;
	s0 =	simm.s32 @!p0 $0x0  }
0x12: {  	s1 =	sld [smem:$0x3F93];
	s0 =	simm.s32 @p0 $0x1  }
0x13: {  	[smem:$0x3FAE] =	sst s0;
	s0 =	simm.s32 @!p1 $0x0  }
0x14: {  	s2 =	sld [smem:$0x3F92];
	s0 =	simm.s32 @p1 $0x1  }
0x15: {  	[smem:$0x3FAF] =	sst s0;
	s0 =	simm.s32 @!p2 $0x0  }
0x16: {  	s3 =	sld [smem:$0x3FDB];
	s0 =	simm.s32 @p2 $0x1  }
0x17: {  	s4 =	simm.s32 $0x1BF5;
	[smem:$0x3FB1] =	sst s0  }
0x18: {  	s0 =	sld [smem:$0x3F94];
	_ =	swait.ge [sflag:s4], $0x0  }
0x19: {  	s7 =	sld [smem:$0x3F95]  }
0x1a: {  	s8 =	sadd.s32 $0xFFFFE003, lr  }
0x1b: {  	s9 =	sadd.s32 $0xFFFFFEF7, lr;
	s5 =	simm.s32 $0xFFFFFFFF;
	p2 =	slt.u32 s8, $0xFFFFF086  }
0x1c: {  	p1 =	slt.u32 s9, $0xF7A;
	s5 =	simm.s32 @!p2 $0x0  }
0x1d: {  	s5 =	simm.s32 @p1 $0x1;
	p0 =	seq.s32 s7, s2  }
0x1e: {  	s7 =	smul.u32 @!p0 $0xF7A, s2;
	p2 =	seq.s32 @!p0 s5, $0x0  }
0x1f: {  	s9 =	smul.u32 $0xF7A, s1;
	s8 =	simm.s32 @!p0 $0x1BF5;
	p2 =	por !p2, p0  }
0x20: {  	[sflag:s8] =	ssyncset.s32 @!p0 $0xFFFFF086;
	s6 =	sadd.s32 @!p0 s3, s7;
	s7 =	simm.s32 @!p0 $0x108  }
0x21: {  	s3 =	sadd.s32 s3, s9;
	s6 =	sadd.s32 @!p0 $0x88, s6;
	s7 =	simm.s32 @p2 $0x1082  }
0x22: {  	[simem:s7], [sflag:s8] =	dma.local @!p0 [hbm:s6], $0xF7A  }
0x23: {  	s9 =	sor.u32 $0xD0000000, s2;
	s6 =	simm.s32 $0x108;
	_ =	swait.ge @!p0 [sflag:s8], $0x0  }
0x24: {  	s3 =	sadd.s32 $0x88, s3;
	s6 =	simm.s32 @!p1 $0x1082;
	[sflag:s4] =	ssyncset.s32 $0xFFFFF086  }
0x25: {  	[simem:s6], [sflag:s4] =	dma.local [hbm:s3], $0xF7A  }
0x26: {  	[smem:$0x3F95] =	sst s1;
	(tag) =	ssettag s2;
	_ =	strace s9  }
0x27: {  	s1 =	sld [smem:$0x3FA5]  }
0x28: {  	s2 =	sld [smem:$0x3FA6]  }
0x29: {  	s4 =	sld [smem:$0x3FA8]  }
0x2a: {  	p0 =	seq.s32 s5, $0x0;
	s5 =	sld [smem:$0x3FA9]  }
0x2b: {  	s6 =	sld [smem:$0x3FAA]  }
0x2c: {  	s7 =	sld [smem:$0x3FAB]  }
0x2d: {  	s3 =	simm.s32 $0x108;
	s8 =	sld [smem:$0x3FAC]  }
0x2e: {  	s3 =	simm.s32 @!p0 $0x1082;
	s9 =	sld [smem:$0x3FAD]  }
0x2f: {  	lr =	sadd.s32 s0, s3;
	s0 =	sld [smem:$0x3FA4]  }
0x30: {  	s3 =	sld [smem:$0x3FA7]  }
0x31: {  	[smem:$0x3FB0] =	sst s10  }
0x32: {  	s10 =	sld [smem:$0x3FAE];
	_ =	sdelay $0x3  }
0x33: {  	p0 =	seq.s32 s10, $0x1;
	s10 =	sld [smem:$0x3FB0];
	_ =	sdelay $0x3  }
0x34: {  	[smem:$0x3FB0] =	sst s10  }
0x35: {  	s10 =	sld [smem:$0x3FAF];
	_ =	sdelay $0x3  }
0x36: {  	p1 =	seq.s32 s10, $0x1;
	s10 =	sld [smem:$0x3FB0];
	_ =	sdelay $0x3  }
0x37: {  	[smem:$0x3FB0] =	sst s10  }
0x38: {  	s10 =	sld [smem:$0x3FB1]  }
0x39: {  	_ = 	snop;
	(pc) =	sbr.ind lr, $3  }
0x3a: {  	_ = 	snop  }
0x3b: {  	_ = 	snop  }
0x3c: {  	p2 =	seq.s32 s10, $0x1;
	s10 =	sld [smem:$0x3FB0]  }
0x3d: {  	_ =	shalt  }
0x3e: {  	_ =	shalt  }
0x3f: {  	_ =	shalt  }
0x40: {  	_ =	shalt  }
0x41: {  	_ =	shalt  }
0x42: {  	_ =	shalt  }
0x43: {  	_ =	shalt  }
0x44: {  	_ =	shalt  }
0x45: {  	_ =	shalt  }
0x46: {  	_ =	shalt  }
0x47: {  	_ =	shalt  }
0x48: {  	_ =	shalt  }
0x49: {  	_ =	shalt  }
0x4a: {  	_ =	shalt  }
0x4b: {  	_ =	shalt  }
0x4c: {  	_ =	shalt  }
0x4d: {  	_ =	shalt  }
0x4e: {  	_ =	shalt  }
0x4f: {  	_ =	shalt  }
0x50: {  	_ =	shalt  }
0x51: {  	_ =	shalt  }
0x52: {  	_ =	shalt  }
0x53: {  	_ =	shalt  }
0x54: {  	_ =	shalt  }
0x55: {  	_ =	shalt  }
0x56: {  	_ =	shalt  }
0x57: {  	_ =	shalt  }
0x58: {  	_ =	shalt  }
0x59: {  	_ =	shalt  }
0x5a: {  	_ =	shalt  }
0x5b: {  	_ =	shalt  }
0x5c: {  	_ =	shalt  }
0x5d: {  	_ =	shalt  }
0x5e: {  	_ =	shalt  }
0x5f: {  	_ =	shalt  }
0x60: {  	_ =	shalt  }
0x61: {  	_ =	shalt  }
0x62: {  	_ =	shalt  }
0x63: {  	_ =	shalt  }
0x64: {  	_ =	shalt  }
0x65: {  	_ =	shalt  }
0x66: {  	_ =	shalt  }
0x67: {  	_ =	shalt  }
0x68: {  	_ =	shalt  }
0x69: {  	_ =	shalt  }
0x6a: {  	_ =	shalt  }
0x6b: {  	_ =	shalt  }
0x6c: {  	_ =	shalt  }
0x6d: {  	_ =	shalt  }
0x6e: {  	_ =	shalt  }
0x6f: {  	_ =	shalt  }
0x70: {  	_ =	shalt  }
0x71: {  	_ =	shalt  }
0x72: {  	_ =	shalt  }
0x73: {  	_ =	shalt  }
0x74: {  	_ =	shalt  }
0x75: {  	_ =	shalt  }
0x76: {  	_ =	shalt  }
0x77: {  	_ =	shalt  }
0x78: {  	_ =	shalt  }
0x79: {  	_ =	shalt  }
0x7a: {  	_ =	shalt  }
0x7b: {  	_ =	shalt  }
0x7c: {  	_ =	shalt  }
0x7d: {  	_ =	shalt  }
0x7e: {  	_ =	shalt  }
0x7f: {  	_ =	shalt  }
0x80: {  	_ =	shalt  }
0x81: {  	_ =	shalt  }
0x82: {  	_ =	shalt  }
0x83: {  	_ =	shalt  }
0x84: {  	_ =	shalt  }
0x85: {  	_ =	shalt  }
0x86: {  	_ =	shalt  }
0x87: {  	_ =	shalt  }
.Lfunc_end0:
.L_simem_size_0:
called_computation_lowered:
.L_overlay_start_0:
0x88: {  	s2 =	sld [smem:$0x3FD9]  }
0x89: {  	s3 =	sld [smem:$0x3FFE];
	_ =	sdelay $0x1  }
0x8a: {  	s1 =	srdreg.scid  }
0x8b: {  	s0 =	sand.u32 $0x1, s1  }
0x8c: {  	s14 =	sshll.u32 s0, $0xA;
	s2 =	sadd.s32 s3, s2  }
0x8d: {  	s2 =	sadd.s32 s2, s14  }
0x8e: {  	[smem:$0x3FBC] =	sst s2  }
0x8f: {  	_ = 	snop  }
0x90: {  	s2 =	sld [smem:$0x3FD0];
	_ =	sdelay $0x2  }
0x91: {  	s15 =	simm.s32 $0xA;
	s4 =	simm.s32 $0x10  }
0x92: {  	[smem:s4], [sflag:s15] =	dma.local [hbm:s2], $0x1  }
0x93: {  	_ =	swait.eq [sflag:s15], $0x1  }
0x94: {  	[sflag:s15] =	ssyncset.done $0x0  }
0x95: {  	s16 =	sld [smem:$0x10];
	[sflag:s15] =	ssyncadd.s32 $0xFFFFFFFF  }
0x96: {  	s17 =	sld [smem:$0x12];
	(tm) =	ssettm $0x1  }
0x97: {  	s18 =	sld [smem:$0x3FFB];
	_ =	sdelay $0x3  }
0x98: {  	_ =	strace s18  }
0x99: {  	s4 =	sld [smem:$0x3FFC];
	_ =	sdelay $0x3  }
0x9a: {  	_ =	strace s4  }
0x9b: {  	s4 =	sld [smem:$0x3FFD];
	_ =	sdelay $0x3  }
0x9c: {  	_ =	strace s4  }
0x9d: {  	_ =	strace $0x8FFFFFFF  }
0x9e: {  	s19 =	sld [smem:$0x3FDB];
	_ =	sdelay $0x1  }
0x9f: {  	s5 =	simm.s32 $_scs_section_size  }
0xa0: {  	s6 =	simm.s32 $_size__tile_overlayer_lowered;
	s7 =	simm.s32 $_tile_overlayer_lowered  }
0xa1: {  	s22 =	simm.s32 $0x1BFF;
	s21 =	sshll.u32 s7, $0x1;
	s4 =	sadd.s32 s5, s19  }
0xa2: {  	s8 =	simm.s32 $0x0;
	s20 =	sshll.u32 s6, $0x1;
	s6 =	sadd.s32 s21, s4  }
0xa3: {  	[timem:s8], [sflag:s22] =	dma.local [hbm:s6], s20  }
0xa4: {  	_ =	swait.ge [sflag:s22], s20  }
0xa5: {  	s5 =	ssub.s32 $0x0, s20;
	[sflag:s22] =	ssyncset.done $0x0  }
0xa6: {  	[sflag:s22] =	ssyncadd.s32 s5;
	_ =	sdelay $0x1  }
0xa7: {  	s23 =	simm.s32 $0x1B8B  }
0xa8: {  	_ =	swait.ge [sflag:s23], $0x1  }
0xa9: {  	[sflag:s23] =	ssyncset.done $0x0  }
0xaa: {  	s25 =	simm.s32 $0x1B8E;
	s24 =	sld [smem:$0x3FFE];
	[sflag:s23] =	ssyncadd.s32 $0xFFFFFFFF  }
0xab: {  	s26 =	simm.s32 $execute0_lowered;
	[smem:$0x3FD2] =	sst s25  }
0xac: {  	s6 =	sshll.u32 s26, $0x1;
	_ =	strace $0x80000046;
	[dreg:$0x1] =	wrdreg $0xFFFFFFFF  }
0xad: {  	s28 =	simm.s32 $_size_execute0_lowered;
	s4 =	sadd.s32 s4, s6;
	[dreg:$0x0] =	wrdreg $0x0  }
0xae: {  	s6 =	sshll.u32 s28, $0x1;
	[dreg:$0x2] =	wrdreg s4  }
0xaf: {  	[dreg:$0x3] =	wrdreg s6  }
0xb0: {  	[dreg:$0x4] =	wrdreg $0xC0  }
0xb1: {  	_ =	task [dreg:s8], $0x5FFFF  }
0xb2: {  	[dreg:$0x1] =	wrdreg $0xFFFFFFFF  }
0xb3: {  	[dreg:$0x0] =	wrdreg $0x60  }
0xb4: {  	[dreg:$0x2] =	wrdreg s16  }
0xb5: {  	[dreg:$0x3] =	wrdreg s17  }
0xb6: {  	[dreg:$0x4] =	wrdreg s24  }
0xb7: {  	[dreg:$0x5] =	wrdreg $0xA0800  }
0xb8: {  	[dreg:$0x6] =	wrdreg $0xA3000  }
0xb9: {  	[dreg:$0x7] =	wrdreg $0xA5800  }
0xba: {  	[dreg:$0x8] =	wrdreg $0xA8000  }
0xbb: {  	[dreg:$0x9] =	wrdreg $0x9  }
0xbc: {  	_ =	task.clear_ibuf [dreg:s8], $0xAFFFF;
	_ =	strace $0x90000046  }
0xbd: {  	s29 =	simm.s32 $0x9;
	_ =	strace $0x80000048  }
0xbe: {  	_ =	swait.ge [sflag:s29], $0x1  }
0xbf: {  	[sflag:s29] =	ssyncadd.s32 $0xFFFFFFFF  }
0xc0: {  	_ =	strace $0x90000048  }
0xc1: {  	_ =	sfence  }
0xc2: {  	s30 =	sld [smem:$0x0];
	_ =	sdelay $0x2  }
0xc3: {  	s31 =	sshll.u32 s1, $0xD;
	s1 =	sshrl.u32 s1, $0x2  }
0xc4: {  	s3 =	sand.u32 $0x4000, s31;
	s1 =	sadd.s32 s1, s30  }
0xc5: {  	s0 =	sor.u32 s3, s0;
	s1 =	sshll.u32 s1, $0x11  }
0xc6: {  	s0 =	sor.u32 s1, s0  }
0xc7: {  	s0 =	sadd.s32 $0x8F2B, s0  }
0xc8: {  	[sflag:s0] =	ssyncadd.remote.s32 $0x1  }
0xc9: {  	_ =	sfence.sel $0xFFFF  }
0xca: {  	[dreg:$0x0] =	wrdreg $0xFFFFFFFF;
	(pc) =	sbr.abs _section_cstart, $3  }
0xcb: {  	[dreg:$0x1] =	wrdreg $0xFFFFFFFF  }
0xcc: {  	_ =	task.clear_ibuf [dreg:s8], $0x2FFFF;
	_ =	strace $0x9FFFFFFF  }
0xcd: {  	(tm) =	ssettm $0x7FFFFFFF  }
tec
execute0_lowered:
.L_overlay_start_1:
0x0: {  	(tag) =	ssettag $0x1  }
0x1: {  	s0 =	rddreg [dreg:$0x0]  }
0x2: {  	s3 =	rddreg [dreg:$0x1]  }
0x3: {  	s7 =	rddreg [dreg:$0x2]  }
0x4: {  	s2 =	srdreg.scid;
	s1 =	rddreg [dreg:$0x3]  }
0x5: {  	s10 =	stileid.u32;
	s4 =	rddreg [dreg:$0x5];
	s28 =	simm.s32 $0x80  }
0x6: {  	s29 =	simm.s32 $0x1;
	s30 =	simm.s32 $0x2;
	s31 =	simm.s32 $0x3  }
0x7: {  	s8 =	sand.u32 $0x1, s2;
	s2 =	rddreg [dreg:$0x4];
	s14 =	sadd.s32 $0x17400, s7  }
0x8: {  	s5 =	sshll.u32 s8, $0x4;
	s11 =	smul.u32 $0x2800, s8;
	s13 =	ssub.s32 $0x2, s8  }
0x9: {  	s8 =	sadd.s32 $0x17200, s7;
	s6 =	sor.u32 s10, s5;
	s10 =	smul.u32 $0x280, s10  }
0xa: {  	s5 =	rddreg [dreg:$0x6];
	s9 =	smul.u32 $0x500, s6;
	s6 =	simm.s32 $0x0  }
0xb: {  	[smem:$0x7FF] =	sst s6;
	s11 =	sadd.s32 s10, s11;
	s21 =	sadd.s32 s10, s1  }
0xc: {  	s23 =	sadd.s32 s10, s2;
	s25 =	sadd.s32 s10, s4;
	s16 =	sadd.s32 s10, s5  }
0xd: {  	_ =	strace $0x80000047;
	s12 =	sadd.s32 s9, s7;
	[dreg:$0x8] =	wrdreg s14  }
0xe: {  	s11 =	sshrl.u32 s11, $0x3;
	s14 =	sshrl.u32 s13, $0x1;
	[dreg:$0xa] =	wrdreg s21  }
0xf: {  	s0 =	sadd.s32 s0, s9;
	s22 =	sadd.s32 s3, s9;
	[dreg:$0xc] =	wrdreg s23  }
0x10: {  	[dreg:$0xe] =	wrdreg s25;
	s23 =	simm.s32 $0x5;
	s25 =	simm.s32 $0x5000  }
0x11: {  	s3 =	simm.s32 $0x4;
	s7 =	sadd.s32 s11, s7;
	[dreg:$0x9] =	wrdreg s0  }
0x12: {  	s15 =	ssub.s32 s13, s14;
	[dreg:$0xb] =	wrdreg s22;
	s24 =	sadd.s32 $0xD200, s12  }
0x13: {  	s26 =	sadd.s32 $0x3200, s12;
	s22 =	simm.s32 $0xA000;
	[dreg:$0xd] =	wrdreg s24  }
0x14: {  	s0 =	simm.s32 $0x0;
	[dreg:$0xf] =	wrdreg s26;
	s17 =	sadd.s32 $0x18A00, s7  }
0x15: {  	s18 =	sadd.s32 $0x17600, s7;
	s19 =	sadd.s32 $0x19400, s7;
	s20 =	sadd.s32 $0x18000, s7  }
0x16: {  	s21 =	smax.u32 s15, $0x1;
	s24 =	simm.s32 $0x2800;
	s26 =	simm.s32 $0x7800  }
.LBB2_1:
0x17: {  	s7 =	rddreg [dreg:$0x8]  }
0x18: {  	[tilespmem:s22], [sflag:$0x5] =	stream.linear.gather [hbm4b:s7+s6], $0x80, $0x38;
	[tilespmem:$0xAA80] =	vst v63  }
0x19: {  	_ =	swait.ge [sflag:s23], $0x80  }
0x1a: {  	[sflag:s23] =	ssyncset.done $0x0  }
0x1b: {  	s10 =	rddreg [dreg:$0x9];
	[sflag:s23] =	ssyncadd.s32 $0xFFFFFF80  }
0x1c: {  	[tilespmem:s6], [sflag:$0x5] =	stream.linear.gather [hbm4b:s10+s6], $0x2800, $0x38;
	[tilespmem:$0xAA80] =	vst v63  }
0x1d: {  	s11 =	stileid.u32;
	_ =	swait.ge [sflag:s23], $0x2800  }
0x1e: {  	s7 =	sshll.u32 s11, $0x6;
	[sflag:s23] =	ssyncset.done $0x0;
	s9 =	rddreg [dreg:$0xa]  }
0x1f: {  	s7 =	sor.u32 $0x1C05, s7;
	[sflag:s23] =	ssyncadd.s32 $0xFFFFD800;
	s9 =	sshrl.u32 s9, $0x3  }
0x20: {  	[spmem:s9], [sflag:s7] =	dma.local [hbm:s8], $0x50  }
0x21: {  	_ =	swait.ge [sflag:s23], $0x50  }
0x22: {  	[sflag:s23] =	ssyncset.done $0x0  }
0x23: {  	s10 =	rddreg [dreg:$0xb];
	[sflag:s23] =	ssyncadd.s32 $0xFFFFFFB0  }
0x24: {  	[tilespmem:s24], [sflag:$0x5] =	stream.linear.gather [hbm4b:s10+s6], $0x2800, $0x38;
	[tilespmem:$0xAA80] =	vst v63  }
0x25: {  	_ =	swait.ge [sflag:s23], $0x2800  }
0x26: {  	[sflag:s23] =	ssyncset.done $0x0;
	s12 =	rddreg [dreg:$0xc]  }
0x27: {  	[sflag:s23] =	ssyncadd.s32 $0xFFFFD800;
	s10 =	sshrl.u32 s12, $0x3  }
0x28: {  	[spmem:s10], [sflag:s7] =	dma.local [hbm:s8], $0x50  }
0x29: {  	_ =	swait.ge [sflag:s23], $0x50  }
0x2a: {  	[sflag:s23] =	ssyncset.done $0x0  }
0x2b: {  	s11 =	rddreg [dreg:$0xd];
	[sflag:s23] =	ssyncadd.s32 $0xFFFFFFB0  }
0x2c: {  	[tilespmem:s25], [sflag:$0x5] =	stream.linear.gather [hbm4b:s11+s6], $0x2800, $0x38;
	[tilespmem:$0xAA80] =	vst v63  }
0x2d: {  	_ =	swait.ge [sflag:s23], $0x2800  }
0x2e: {  	[sflag:s23] =	ssyncset.done $0x0;
	s13 =	rddreg [dreg:$0xe]  }
0x2f: {  	[sflag:s23] =	ssyncadd.s32 $0xFFFFD800;
	s11 =	sshrl.u32 s13, $0x3  }
0x30: {  	[spmem:s11], [sflag:s7] =	dma.local [hbm:s8], $0x50  }
0x31: {  	_ =	swait.ge [sflag:s23], $0x50  }
0x32: {  	[sflag:s23] =	ssyncset.done $0x0  }
0x33: {  	s12 =	rddreg [dreg:$0xf];
	[sflag:s23] =	ssyncadd.s32 $0xFFFFFFB0  }
0x34: {  	[tilespmem:s26], [sflag:$0x5] =	stream.linear.gather [hbm4b:s12+s6], $0x2800, $0x38;
	[tilespmem:$0xAA80] =	vst v63  }
0x35: {  	_ =	swait.ge [sflag:s23], $0x2800  }
0x36: {  	[sflag:s23] =	ssyncset.done $0x0  }
0x37: {  	s12 =	sshrl.u32 s16, $0x3;
	[sflag:s23] =	ssyncadd.s32 $0xFFFFD800  }
0x38: {  	[spmem:s12], [sflag:s7] =	dma.local [hbm:s8], $0x50  }
0x39: {  	_ =	swait.ge [sflag:s23], $0x50  }
0x3a: {  	[sflag:s23] =	ssyncset.done $0x0  }
0x3b: {  	[sflag:s23] =	ssyncadd.s32 $0xFFFFFFB0  }
0x3c: {  	[bflag:$0x0] =	sbarrier.arrive $0xFFFF  }
0x3d: {  	[spmem:s1] =	stream.indirect.scatter.add.f32 [tilespmem:s22], [sflag:$0x1], $0x1, s6, s28, $0xb8;
	[tilespmem:$0xAA80] =	vst v63  }
0x3e: {  	_ = 	snop  }
0x3f: {  	[spmem:s2] =	stream.indirect.scatter.add.f32 [tilespmem:s22], [sflag:$0x2], $0x1, s24, s28, $0xb8;
	[tilespmem:$0xAA80] =	vst v63  }
0x40: {  	_ = 	snop  }
0x41: {  	[spmem:s4] =	stream.indirect.scatter.add.f32 [tilespmem:s22], [sflag:$0x3], $0x1, s25, s28, $0xb8;
	[tilespmem:$0xAA80] =	vst v63  }
0x42: {  	_ = 	snop  }
0x43: {  	[spmem:s5] =	stream.indirect.scatter.add.f32 [tilespmem:s22], [sflag:$0x4], $0x1, s26, s28, $0xb8;
	[tilespmem:$0xAA80] =	vst v63  }
0x44: {  	_ =	swait.ge [sflag:s29], $0x80  }
0x45: {  	[sflag:s29] =	ssyncset.done $0x0  }
0x46: {  	s13 =	simm.s32 $0x80;
	[sflag:s29] =	ssyncadd.s32 $0xFFFFFF80  }
0x47: {  	[spmem:s1] =	stream.indirect.scatter.add.f32 [tilespmem:s22], [sflag:$0x1], $0x1, s13, s28, $0xb8;
	[tilespmem:$0xAA80] =	vst v63  }
0x48: {  	_ =	swait.ge [sflag:s30], $0x80  }
0x49: {  	[sflag:s30] =	ssyncset.done $0x0  }
0x4a: {  	s14 =	simm.s32 $0x2880;
	[sflag:s30] =	ssyncadd.s32 $0xFFFFFF80  }
0x4b: {  	[spmem:s2] =	stream.indirect.scatter.add.f32 [tilespmem:s22], [sflag:$0x2], $0x1, s14, s28, $0xb8;
	[tilespmem:$0xAA80] =	vst v63  }
0x4c: {  	_ =	swait.ge [sflag:s31], $0x80  }
0x4d: {  	[sflag:s31] =	ssyncset.done $0x0  }
0x4e: {  	s15 =	simm.s32 $0x5080;
	[sflag:s31] =	ssyncadd.s32 $0xFFFFFF80  }
0x4f: {  	[spmem:s4] =	stream.indirect.scatter.add.f32 [tilespmem:s22], [sflag:$0x3], $0x1, s15, s28, $0xb8;
	[tilespmem:$0xAA80] =	vst v63  }
0x50: {  	_ =	swait.ge [sflag:s3], $0x80  }
0x51: {  	[sflag:s3] =	ssyncset.done $0x0  }
0x52: {  	s13 =	simm.s32 $0x400;
	s14 =	simm.s32 $0x7880;
	[sflag:s3] =	ssyncadd.s32 $0xFFFFFF80  }
.LBB2_2:
0x53: {  	[spmem:s5] =	stream.indirect.scatter.add.f32 [tilespmem:s22], [sflag:$0x4], $0x1, s14, s28, $0xb8;
	[tilespmem:$0xAA80] =	vst v63  }
0x54: {  	s14 =	smov.u32 s13  }
0x55: {  	p0 =	sne.s32 s13, $0x9E00;
	s13 =	sadd.s32 $0x200, s13;
	_ =	swait.ge [sflag:s29], $0x80  }
0x56: {  	[sflag:s29] =	ssyncset.done $0x0  }
0x57: {  	s14 =	sshra.s32 s14, $0x2;
	[sflag:s29] =	ssyncadd.s32 $0xFFFFFF80  }
0x58: {  	[spmem:s1] =	stream.indirect.scatter.add.f32 [tilespmem:s22], [sflag:$0x1], $0x1, s14, s28, $0xb8;
	[tilespmem:$0xAA80] =	vst v63  }
0x59: {  	_ =	swait.ge [sflag:s30], $0x80  }
0x5a: {  	[sflag:s30] =	ssyncset.done $0x0  }
0x5b: {  	s15 =	sadd.s32 $0x2800, s14;
	[sflag:s30] =	ssyncadd.s32 $0xFFFFFF80  }
0x5c: {  	[spmem:s2] =	stream.indirect.scatter.add.f32 [tilespmem:s22], [sflag:$0x2], $0x1, s15, s28, $0xb8;
	[tilespmem:$0xAA80] =	vst v63  }
0x5d: {  	_ =	swait.ge [sflag:s31], $0x80  }
0x5e: {  	[sflag:s31] =	ssyncset.done $0x0  }
.Ltmp0:
0x5f: {  	s15 =	sadd.s32 $0x5000, s14;
	[sflag:s31] =	ssyncadd.s32 $0xFFFFFF80;
	(pc) =	sbr.rel @p0 .LBB2_2-.Ltmp0, $4  }
0x60: {  	[spmem:s4] =	stream.indirect.scatter.add.f32 [tilespmem:s22], [sflag:$0x3], $0x1, s15, s28, $0xb8;
	[tilespmem:$0xAA80] =	vst v63  }
0x61: {  	_ =	swait.ge [sflag:s3], $0x80  }
0x62: {  	[sflag:s3] =	ssyncset.done $0x0  }
0x63: {  	s14 =	sadd.s32 $0x7800, s14;
	[sflag:s3] =	ssyncadd.s32 $0xFFFFFF80  }
0x64: {  	[spmem:s5] =	stream.indirect.scatter.add.f32 [tilespmem:s22], [sflag:$0x4], $0x1, s14, s28, $0xb8;
	[tilespmem:$0xAA80] =	vst v63  }
0x65: {  	_ =	swait.ge [sflag:s29], $0x80  }
0x66: {  	[sflag:s29] =	ssyncset.done $0x0  }
0x67: {  	[sflag:s29] =	ssyncadd.s32 $0xFFFFFF80  }
0x68: {  	_ =	swait.ge [sflag:s30], $0x80  }
0x69: {  	[sflag:s30] =	ssyncset.done $0x0  }
0x6a: {  	[sflag:s30] =	ssyncadd.s32 $0xFFFFFF80  }
0x6b: {  	_ =	swait.ge [sflag:s31], $0x80  }
0x6c: {  	[sflag:s31] =	ssyncset.done $0x0  }
0x6d: {  	[sflag:s31] =	ssyncadd.s32 $0xFFFFFF80  }
0x6e: {  	_ =	swait.ge [sflag:s3], $0x80  }
0x6f: {  	[sflag:s3] =	ssyncset.done $0x0  }
0x70: {  	[sflag:s3] =	ssyncadd.s32 $0xFFFFFF80  }
0x71: {  	[bflag:$0x0] =	sbarrier.arrive $0xFFFF  }
0x72: {  	[hbm:s17], [sflag:s7] =	dma.local [spmem:s9], $0x50  }
0x73: {  	_ =	swait.ge [sflag:s23], $0x50  }
0x74: {  	[sflag:s23] =	ssyncset.done $0x0  }
0x75: {  	[sflag:s23] =	ssyncadd.s32 $0xFFFFFFB0  }
0x76: {  	[hbm:s18], [sflag:s7] =	dma.local [spmem:s10], $0x50  }
0x77: {  	_ =	swait.ge [sflag:s23], $0x50  }
0x78: {  	[sflag:s23] =	ssyncset.done $0x0  }
0x79: {  	[sflag:s23] =	ssyncadd.s32 $0xFFFFFFB0  }
0x7a: {  	[hbm:s19], [sflag:s7] =	dma.local [spmem:s11], $0x50  }
0x7b: {  	s0 =	sadd.s32 $0x1, s0;
	_ =	swait.ge [sflag:s23], $0x50  }
0x7c: {  	p0 =	sne.s32 s0, s21;
	[sflag:s23] =	ssyncset.done $0x0  }
.Ltmp1:
0x7d: {  	[sflag:s23] =	ssyncadd.s32 $0xFFFFFFB0;
	(pc) =	sbr.rel @p0 .LBB2_1-.Ltmp1, $4  }
0x7e: {  	[hbm:s20], [sflag:s7] =	dma.local [spmem:s12], $0x50  }
0x7f: {  	_ =	swait.ge [sflag:s23], $0x50  }
0x80: {  	[sflag:s23] =	ssyncset.done $0x0  }
0x81: {  	[sflag:s23] =	ssyncadd.s32 $0xFFFFFFB0  }
0x82: {  	_ =	sfence.sel $0x180000  }
0x83: {  	[bflag:$0x0] =	sbarrier.arrive $0xFFFF  }
0x84: {  	_ =	strace $0x90000047  }
0x85: {  	s0 =	stileid.u32;
	[bflag:$0x2] =	sbarrier.arrive $0xFFFF  }
0x86: {  	p0 =	sne.s32 s0, $0x0;
	s0 =	rddreg [dreg:$0x7]  }
0x87: {  	s0 =	sadd.s32 @!p0 $0x100000, s0  }
0x88: {  	[sflag:s0] =	ssyncadd.tile.s32 @!p0 $0x1;
	_ =	shalt  }
.Lfunc_end2:
_tile_overlayer_lowered:
.L_overlay_start_2:
0x89: {  	(tag) =	ssettag $0x2  }
0x8a: {  	s0 =	rddreg [dreg:$0x0];
	s2 =	stileid.u32  }
0x8b: {  	s1 =	rddreg [dreg:$0x1];
	p0 =	sne.s32 s2, $0x0  }
0x8c: {  	s3 =	rddreg [dreg:$0x2];
	[bflag:$0x3] =	sbarrier.arrive $0xFFFF;
	s2 =	simm.s32 @!p0 $0x1C05  }
0x8d: {  	[timem:s3], [sflag:s2] =	dma.local @!p0 [hbm:s0], s1  }
0x8e: {  	s0 =	simm.s32 @!p0 $0x5  }
0x8f: {  	_ =	swait.ge @!p0 [sflag:s0], s1  }
0x90: {  	s1 =	ssub.s32 @!p0 $0x0, s1;
	[sflag:s0] =	ssyncset.done @!p0 $0x0  }
0x91: {  	[sflag:s0] =	ssyncadd.s32 @!p0 s1  }
0x92: {  	[bflag:$0x3] =	sbarrier.arrive $0xFFFF  }
0x93: {  	_ =	shalt  }

</sc_bundles>
